<compile_context>
chip_gen: v7x
topology: tpu7x:2x2x1
jax: 0.10.2.dev20260603
libtpu: 0.0.44.dev20260713+nightly
codegen_flags: <defaults>
</compile_context>

<pallas_src>
import functools

import jax
import jax.numpy as jnp
from jax import lax
from jax.experimental import pallas as pl
from jax.experimental.pallas import tpu as pltpu
from jax.experimental.pallas import tpu_sc as plsc

NUM_UNITS = 768
NUM_REL = 129


def _zero_row0_body(table_ref, out_ref):
    rows = lax.broadcasted_iota(jnp.int32, table_ref.shape, 0)
    out_ref[...] = jnp.where(rows == 0, jnp.float32(0.0), table_ref[...])


def _zero_row0(table):
    return pl.pallas_call(
        _zero_row0_body,
        out_shape=jax.ShapeDtypeStruct(table.shape, table.dtype),
    )(table)


def _onehot_fill_body(idx_ref, table_ref, _prev_ref, out_ref):
    idx = idx_ref[...]
    classes = lax.broadcasted_iota(jnp.int32, (1, NUM_REL), 1)
    oh = jnp.where((idx == classes) & (idx >= 1), jnp.float32(1.0),
                   jnp.float32(0.0))
    out_ref[...] = jnp.dot(oh, table_ref[...],
                           preferred_element_type=jnp.float32)


@functools.lru_cache(maxsize=None)
def _make_tc_fill(B, Bsc, D):
    RB = 4096
    nblk0 = Bsc // RB
    grid = ((B - Bsc) // RB,)
    return pl.pallas_call(
        _onehot_fill_body,
        grid=grid,
        in_specs=[
            pl.BlockSpec((RB, 1), lambda i: (i + nblk0, 0)),
            pl.BlockSpec((NUM_REL, D), lambda i: (0, 0)),
            pl.BlockSpec((8, 128), lambda i: (0, 0)),
        ],
        out_specs=pl.BlockSpec((RB, D), lambda i: (i + nblk0, 0)),
        out_shape=jax.ShapeDtypeStruct((B, D), jnp.float32),
        input_output_aliases={2: 0},
    )


@functools.lru_cache(maxsize=None)
def _make_sc_gather(B, Bsc, D):
    info = plsc.get_sparse_core_info()
    NC, NS = info.num_cores, info.num_subcores
    NW = NC * NS
    b_per_w = Bsc // NW
    C = 32
    NBUF = 4
    AHEAD = 2
    nch = b_per_w // C
    assert b_per_w % C == 0 and nch % NBUF == 0
    assert Bsc % NW == 0

    mesh = plsc.VectorSubcoreMesh(core_axis_name="c", subcore_axis_name="s")

    @functools.partial(
        pl.kernel,
        mesh=mesh,
        out_type=jax.ShapeDtypeStruct((B, D), jnp.float32),
        scratch_types=(
            [pltpu.VMEM((b_per_w,), jnp.int32)]
            + [pltpu.VMEM((C, D), jnp.float32)] * NBUF
            + [pltpu.SemaphoreType.DMA] * (2 * NBUF)
        ),
    )
    def gather_kernel(table_hbm, idx_hbm, out_hbm, idx_v, *bufs_and_sems):
        rows = bufs_and_sems[:NBUF]
        gsem = bufs_and_sems[NBUF:2 * NBUF]
        wsem = bufs_and_sems[2 * NBUF:]
        wid = lax.axis_index("s") * NC + lax.axis_index("c")
        base = wid * b_per_w
        pltpu.sync_copy(idx_hbm.at[pl.ds(base, b_per_w)], idx_v)

        def g_copy(c, b):
            return pltpu.make_async_copy(
                table_hbm.at[idx_v.at[pl.ds(c * C, C)]], rows[b], gsem[b])

        def w_copy(c, b):
            return pltpu.make_async_copy(
                rows[b], out_hbm.at[pl.ds(base + c * C, C)], wsem[b])

        for k in range(AHEAD):
            g_copy(k, k).start()

        def loop_body(g):
            for b in range(NBUF):
                c = g + b
                g_copy(c, b).wait()
                w_copy(c, b).start()

                @pl.when(c >= AHEAD)
                def _():
                    w_copy(c - AHEAD, (b - AHEAD) % NBUF).wait()

                @pl.when(c + AHEAD < nch)
                def _():
                    g_copy(c + AHEAD, (b + AHEAD) % NBUF).start()

        pl.loop(0, nch, step=NBUF)(loop_body)
        for k in range(AHEAD):
            c = nch - AHEAD + k
            w_copy(c, c % NBUF).wait()

    return gather_kernel


SC_FRAC_NUM = 1
SC_FRAC_DEN = 8


def kernel(relation_matrix, embeddings_table):
    bsz, seq, seq2 = relation_matrix.shape
    num_units = embeddings_table.shape[1]
    B = bsz * seq * seq2
    Bsc = (B * SC_FRAC_NUM // SC_FRAC_DEN) // 8192 * 8192
    idx = relation_matrix.reshape(-1)
    table = _zero_row0(embeddings_table)
    out_sc = _make_sc_gather(B, Bsc, num_units)(table, idx[:Bsc])
    out = _make_tc_fill(B, Bsc, num_units)(idx.reshape(-1, 1), table, out_sc)
    return out.reshape(bsz, seq, seq2, num_units)

# --- scband reference (transcript-rebuilt; emitter-appended) ---
"""Pipeline reference for scband-relative-position-45346264711706 (READ-ONLY COPY).

The authoritative reference and input builder live on the scoring server;
editing this copy changes nothing except your own understanding.
"""

import jax, jax.numpy as jnp
import numpy as np

NUM_UNITS = 768
MAX_REL = 128
B, S = 1, 512

def setup_inputs(seed: int = 0) -> dict:
    key = jax.random.key(seed)
    k1, k2 = jax.random.split(key)
    relation_matrix = jax.random.randint(k1, (B, S, S), 0, MAX_REL + 1, dtype=jnp.int64 if jax.config.jax_enable_x64 else jnp.int32).astype(jnp.int32)
    # xavier_uniform init for embeddings_table [MAX_REL+1, NUM_UNITS]
    fan_in, fan_out = MAX_REL + 1, NUM_UNITS
    limit = float(np.sqrt(6.0 / (fan_in + fan_out)))
    embeddings_table = jax.random.uniform(k2, (MAX_REL + 1, NUM_UNITS), minval=-limit, maxval=limit, dtype=jnp.float32)
    return {"relation_matrix": relation_matrix, "embeddings_table": embeddings_table}

def reference(relation_matrix, embeddings_table):
    batch_size = relation_matrix.shape[0]
    seq_len = relation_matrix.shape[1]
    # mask = relation_matrix.ge(1).unsqueeze(3).expand(B, S, S, 768)
    mask = jnp.broadcast_to((relation_matrix >= 1)[:, :, :, None], (batch_size, seq_len, seq_len, NUM_UNITS))
    # embeddings = self.embeddings_table[relation_matrix]  -> gather
    embeddings = jnp.take(embeddings_table, relation_matrix, axis=0)
    final_embeddings = embeddings * mask.astype(embeddings.dtype)
    return final_embeddings

if __name__ == "__main__":
    import jax
    _d = setup_inputs()
    print(jax.jit(kernel)(*tuple(_d.values())))

</pallas_src>

<mosaic_0001>
#map = affine_map<(d0, d1) -> (0, 0)>
#map1 = affine_map<(d0, d1) -> (0)>
module attributes {stable_mosaic.version = 14 : i64} {
  func.func @gather_kernel(%arg0: i32, %arg1: i32, %arg2: memref<129x768xf32, #tpu.memory_space<hbm>>, %arg3: memref<32768xi32, #tpu.memory_space<hbm>>, %arg4: memref<262144x768xf32, #tpu.memory_space<hbm>>, %arg5: memref<1024xi32, #tpu.memory_space<vmem>>, %arg6: memref<32x768xf32, #tpu.memory_space<vmem>>, %arg7: memref<32x768xf32, #tpu.memory_space<vmem>>, %arg8: memref<32x768xf32, #tpu.memory_space<vmem>>, %arg9: memref<32x768xf32, #tpu.memory_space<vmem>>, %arg10: memref<!tpu.dma_semaphore, #tpu.memory_space<semaphore_mem>>, %arg11: memref<!tpu.dma_semaphore, #tpu.memory_space<semaphore_mem>>, %arg12: memref<!tpu.dma_semaphore, #tpu.memory_space<semaphore_mem>>, %arg13: memref<!tpu.dma_semaphore, #tpu.memory_space<semaphore_mem>>, %arg14: memref<!tpu.dma_semaphore, #tpu.memory_space<semaphore_mem>>, %arg15: memref<!tpu.dma_semaphore, #tpu.memory_space<semaphore_mem>>, %arg16: memref<!tpu.dma_semaphore, #tpu.memory_space<semaphore_mem>>, %arg17: memref<!tpu.dma_semaphore, #tpu.memory_space<semaphore_mem>>) attributes {dimension_semantics = [#tpu.dimension_semantics<core_parallel>, #tpu.dimension_semantics<subcore_parallel>], iteration_bounds = array<i64: 2, 16>, scalar_prefetch = 0 : i64, scratch_operands = 13 : i64, tpu.core_type = #tpu.core_type<sc_vector_subcore>, window_params = [{transform_indices = #map}, {transform_indices = #map1}, {transform_indices = #map}]} {
    %mul3A = arith.constant 2 : i32
    %mul3A_0 = arith.muli %arg1, %mul3A : i32
    %add3A = arith.addi %mul3A_0, %arg0 : i32
    %mul3A_1 = arith.constant 1024 : i32
    %mul3A_2 = arith.muli %add3A, %mul3A_1 : i32
    "tpu.region"() ({
      %run_scoped3A = tpu.sem_alloc : memref<!tpu.dma_semaphore, #tpu.memory_space<semaphore_mem>>
      %dma_start3A_27 = tpu.memref_slice %arg3[%mul3A_2] : memref<32768xi32, #tpu.memory_space<hbm>> -> memref<1024xi32, #tpu.memory_space<hbm>>
      %dma_start3A_28 = tpu.memref_slice %arg3[%mul3A_2] : memref<32768xi32, #tpu.memory_space<hbm>> -> memref<1024xi32, #tpu.memory_space<hbm>>
      tpu.enqueue_dma source(%dma_start3A_28 : memref<1024xi32, #tpu.memory_space<hbm>>) target(%arg5 : memref<1024xi32, #tpu.memory_space<vmem>>) target_semaphore(%run_scoped3A : memref<!tpu.dma_semaphore, #tpu.memory_space<semaphore_mem>>)
      %dma_wait3A_29 = tpu.memref_slice %arg3[%mul3A_2] : memref<32768xi32, #tpu.memory_space<hbm>> -> memref<1024xi32, #tpu.memory_space<hbm>>
      %dma_wait3A_30 = tpu.memref_slice %arg3[%mul3A_2] : memref<32768xi32, #tpu.memory_space<hbm>> -> memref<1024xi32, #tpu.memory_space<hbm>>
      tpu.wait_dma2 semaphore(%run_scoped3A : memref<!tpu.dma_semaphore, #tpu.memory_space<semaphore_mem>>) src(%dma_wait3A_30 : memref<1024xi32, #tpu.memory_space<hbm>>) dst(%arg5 : memref<1024xi32, #tpu.memory_space<vmem>>)
      tpu.yield
    }) : () -> ()
    %dma_start3A = arith.constant 0 : i32
    %dma_start3A_3 = tpu.memref_slice %arg5[%dma_start3A] : memref<1024xi32, #tpu.memory_space<vmem>> -> memref<32xi32, #tpu.memory_space<vmem>>
    %dma_start3A_4 = arith.constant 0 : i32
    %dma_start3A_5 = arith.constant 0 : i32
    %dma_start3A_6 = tpu.memref_slice %arg2[%dma_start3A_4, %dma_start3A_5] : memref<129x768xf32, #tpu.memory_space<hbm>> -> memref<129x768xf32, #tpu.memory_space<hbm>>
    tpu.enqueue_indirect_dma source(%dma_start3A_6 : memref<129x768xf32, #tpu.memory_space<hbm>>) target(%arg6 : memref<32x768xf32, #tpu.memory_space<vmem>>) offsets(%dma_start3A_3 : memref<32xi32, #tpu.memory_space<vmem>>) semaphore(%arg10 : memref<!tpu.dma_semaphore, #tpu.memory_space<semaphore_mem>>)
    %dma_start3A_7 = arith.constant 32 : i32
    %dma_start3A_8 = tpu.memref_slice %arg5[%dma_start3A_7] : memref<1024xi32, #tpu.memory_space<vmem>> -> memref<32xi32, #tpu.memory_space<vmem>>
    %dma_start3A_9 = arith.constant 0 : i32
    %dma_start3A_10 = arith.constant 0 : i32
    %dma_start3A_11 = tpu.memref_slice %arg2[%dma_start3A_9, %dma_start3A_10] : memref<129x768xf32, #tpu.memory_space<hbm>> -> memref<129x768xf32, #tpu.memory_space<hbm>>
    tpu.enqueue_indirect_dma source(%dma_start3A_11 : memref<129x768xf32, #tpu.memory_space<hbm>>) target(%arg7 : memref<32x768xf32, #tpu.memory_space<vmem>>) offsets(%dma_start3A_8 : memref<32xi32, #tpu.memory_space<vmem>>) semaphore(%arg11 : memref<!tpu.dma_semaphore, #tpu.memory_space<semaphore_mem>>)
    %scan3A = arith.constant 0 : i32
    %scan3A_12 = arith.constant 8 : i32
    %scan3A_13 = arith.addi %scan3A, %scan3A_12 : i32
    %scan3A_14 = arith.constant 1 : i32
    scf.for %scan3A_27 = %scan3A to %scan3A_13 step %scan3A_14  : i32 {
      %mul3A_28 = arith.constant 4 : i32
      %mul3A_29 = arith.muli %scan3A_27, %mul3A_28 : i32
      %add3A_30 = arith.constant 0 : i32
      %add3A_31 = arith.addi %add3A_30, %mul3A_29 : i32
      %add3A_32 = arith.constant 0 : i32
      %add3A_33 = arith.addi %add3A_31, %add3A_32 : i32
      %mul3A_34 = arith.constant 32 : i32
      %mul3A_35 = arith.muli %add3A_33, %mul3A_34 : i32
      %dma_wait3A_36 = tpu.memref_slice %arg5[%mul3A_35] : memref<1024xi32, #tpu.memory_space<vmem>> -> memref<32xi32, #tpu.memory_space<vmem>>
      %dma_wait3A_37 = arith.constant 0 : i32
      %dma_wait3A_38 = arith.constant 0 : i32
      %dma_wait3A_39 = tpu.memref_slice %arg2[%dma_wait3A_37, %dma_wait3A_38] : memref<129x768xf32, #tpu.memory_space<hbm>> -> memref<129x768xf32, #tpu.memory_space<hbm>>
      tpu.wait_indirect_dma semaphore(%arg10 : memref<!tpu.dma_semaphore, #tpu.memory_space<semaphore_mem>>) src(%dma_wait3A_39 : memref<129x768xf32, #tpu.memory_space<hbm>>) dst(%arg6 : memref<32x768xf32, #tpu.memory_space<vmem>>)
      %mul3A_40 = arith.constant 32 : i32
      %mul3A_41 = arith.muli %add3A_33, %mul3A_40 : i32
      %add3A_42 = arith.addi %mul3A_2, %mul3A_41 : i32
      %dma_start3A_43 = arith.constant 0 : i32
      %dma_start3A_44 = tpu.memref_slice %arg4[%add3A_42, %dma_start3A_43] : memref<262144x768xf32, #tpu.memory_space<hbm>> -> memref<32x768xf32, #tpu.memory_space<hbm>>
      %dma_start3A_45 = arith.constant 0 : i32
      %dma_start3A_46 = tpu.memref_slice %arg4[%add3A_42, %dma_start3A_45] : memref<262144x768xf32, #tpu.memory_space<hbm>> -> memref<32x768xf32, #tpu.memory_space<hbm>>
      tpu.enqueue_dma source(%arg6 : memref<32x768xf32, #tpu.memory_space<vmem>>) target(%dma_start3A_46 : memref<32x768xf32, #tpu.memory_space<hbm>>) target_semaphore(%arg14 : memref<!tpu.dma_semaphore, #tpu.memory_space<semaphore_mem>>)
      %ge3A = arith.constant 2 : i32
      %ge3A_47 = arith.cmpi sge, %add3A_33, %ge3A : i32
      %convert_element_type3A = arith.extui %ge3A_47 : i1 to i32
      %cond3A = arith.constant 0 : i32
      %cond3A_48 = arith.cmpi ne, %convert_element_type3A, %cond3A : i32
      scf.if %cond3A_48 {
        %sub3A = arith.constant 2 : i32
        %sub3A_136 = arith.subi %add3A_33, %sub3A : i32
        %mul3A_137 = arith.constant 32 : i32
        %mul3A_138 = arith.muli %sub3A_136, %mul3A_137 : i32
        %add3A_139 = arith.addi %mul3A_2, %mul3A_138 : i32
        %dma_wait3A_140 = arith.constant 0 : i32
        %dma_wait3A_141 = tpu.memref_slice %arg4[%add3A_139, %dma_wait3A_140] : memref<262144x768xf32, #tpu.memory_space<hbm>> -> memref<32x768xf32, #tpu.memory_space<hbm>>
        %dma_wait3A_142 = arith.constant 0 : i32
        %dma_wait3A_143 = tpu.memref_slice %arg4[%add3A_139, %dma_wait3A_142] : memref<262144x768xf32, #tpu.memory_space<hbm>> -> memref<32x768xf32, #tpu.memory_space<hbm>>
        tpu.wait_dma2 semaphore(%arg16 : memref<!tpu.dma_semaphore, #tpu.memory_space<semaphore_mem>>) src(%arg8 : memref<32x768xf32, #tpu.memory_space<vmem>>) dst(%dma_wait3A_143 : memref<32x768xf32, #tpu.memory_space<hbm>>)
      } else {
      }
      %add3A_49 = arith.constant 2 : i32
      %add3A_50 = arith.addi %add3A_33, %add3A_49 : i32
      %lt3A = arith.constant 32 : i32
      %lt3A_51 = arith.cmpi slt, %add3A_50, %lt3A : i32
      %convert_element_type3A_52 = arith.extui %lt3A_51 : i1 to i32
      %cond3A_53 = arith.constant 0 : i32
      %cond3A_54 = arith.cmpi ne, %convert_element_type3A_52, %cond3A_53 : i32
      scf.if %cond3A_54 {
        %add3A_136 = arith.constant 2 : i32
        %add3A_137 = arith.addi %add3A_33, %add3A_136 : i32
        %mul3A_138 = arith.constant 32 : i32
        %mul3A_139 = arith.muli %add3A_137, %mul3A_138 : i32
        %dma_start3A_140 = tpu.memref_slice %arg5[%mul3A_139] : memref<1024xi32, #tpu.memory_space<vmem>> -> memref<32xi32, #tpu.memory_space<vmem>>
        %dma_start3A_141 = arith.constant 0 : i32
        %dma_start3A_142 = arith.constant 0 : i32
        %dma_start3A_143 = tpu.memref_slice %arg2[%dma_start3A_141, %dma_start3A_142] : memref<129x768xf32, #tpu.memory_space<hbm>> -> memref<129x768xf32, #tpu.memory_space<hbm>>
        tpu.enqueue_indirect_dma source(%dma_start3A_143 : memref<129x768xf32, #tpu.memory_space<hbm>>) target(%arg8 : memref<32x768xf32, #tpu.memory_space<vmem>>) offsets(%dma_start3A_140 : memref<32xi32, #tpu.memory_space<vmem>>) semaphore(%arg12 : memref<!tpu.dma_semaphore, #tpu.memory_space<semaphore_mem>>)
      } else {
      }
      %add3A_55 = arith.constant 1 : i32
      %add3A_56 = arith.addi %add3A_31, %add3A_55 : i32
      %mul3A_57 = arith.constant 32 : i32
      %mul3A_58 = arith.muli %add3A_56, %mul3A_57 : i32
      %dma_wait3A_59 = tpu.memref_slice %arg5[%mul3A_58] : memref<1024xi32, #tpu.memory_space<vmem>> -> memref<32xi32, #tpu.memory_space<vmem>>
      %dma_wait3A_60 = arith.constant 0 : i32
      %dma_wait3A_61 = arith.constant 0 : i32
      %dma_wait3A_62 = tpu.memref_slice %arg2[%dma_wait3A_60, %dma_wait3A_61] : memref<129x768xf32, #tpu.memory_space<hbm>> -> memref<129x768xf32, #tpu.memory_space<hbm>>
      tpu.wait_indirect_dma semaphore(%arg11 : memref<!tpu.dma_semaphore, #tpu.memory_space<semaphore_mem>>) src(%dma_wait3A_62 : memref<129x768xf32, #tpu.memory_space<hbm>>) dst(%arg7 : memref<32x768xf32, #tpu.memory_space<vmem>>)
      %mul3A_63 = arith.constant 32 : i32
      %mul3A_64 = arith.muli %add3A_56, %mul3A_63 : i32
      %add3A_65 = arith.addi %mul3A_2, %mul3A_64 : i32
      %dma_start3A_66 = arith.constant 0 : i32
      %dma_start3A_67 = tpu.memref_slice %arg4[%add3A_65, %dma_start3A_66] : memref<262144x768xf32, #tpu.memory_space<hbm>> -> memref<32x768xf32, #tpu.memory_space<hbm>>
      %dma_start3A_68 = arith.constant 0 : i32
      %dma_start3A_69 = tpu.memref_slice %arg4[%add3A_65, %dma_start3A_68] : memref<262144x768xf32, #tpu.memory_space<hbm>> -> memref<32x768xf32, #tpu.memory_space<hbm>>
      tpu.enqueue_dma source(%arg7 : memref<32x768xf32, #tpu.memory_space<vmem>>) target(%dma_start3A_69 : memref<32x768xf32, #tpu.memory_space<hbm>>) target_semaphore(%arg15 : memref<!tpu.dma_semaphore, #tpu.memory_space<semaphore_mem>>)
      %ge3A_70 = arith.constant 2 : i32
      %ge3A_71 = arith.cmpi sge, %add3A_56, %ge3A_70 : i32
      %convert_element_type3A_72 = arith.extui %ge3A_71 : i1 to i32
      %cond3A_73 = arith.constant 0 : i32
      %cond3A_74 = arith.cmpi ne, %convert_element_type3A_72, %cond3A_73 : i32
      scf.if %cond3A_74 {
        %sub3A = arith.constant 2 : i32
        %sub3A_136 = arith.subi %add3A_56, %sub3A : i32
        %mul3A_137 = arith.constant 32 : i32
        %mul3A_138 = arith.muli %sub3A_136, %mul3A_137 : i32
        %add3A_139 = arith.addi %mul3A_2, %mul3A_138 : i32
        %dma_wait3A_140 = arith.constant 0 : i32
        %dma_wait3A_141 = tpu.memref_slice %arg4[%add3A_139, %dma_wait3A_140] : memref<262144x768xf32, #tpu.memory_space<hbm>> -> memref<32x768xf32, #tpu.memory_space<hbm>>
        %dma_wait3A_142 = arith.constant 0 : i32
        %dma_wait3A_143 = tpu.memref_slice %arg4[%add3A_139, %dma_wait3A_142] : memref<262144x768xf32, #tpu.memory_space<hbm>> -> memref<32x768xf32, #tpu.memory_space<hbm>>
        tpu.wait_dma2 semaphore(%arg17 : memref<!tpu.dma_semaphore, #tpu.memory_space<semaphore_mem>>) src(%arg9 : memref<32x768xf32, #tpu.memory_space<vmem>>) dst(%dma_wait3A_143 : memref<32x768xf32, #tpu.memory_space<hbm>>)
      } else {
      }
      %add3A_75 = arith.constant 2 : i32
      %add3A_76 = arith.addi %add3A_56, %add3A_75 : i32
      %lt3A_77 = arith.constant 32 : i32
      %lt3A_78 = arith.cmpi slt, %add3A_76, %lt3A_77 : i32
      %convert_element_type3A_79 = arith.extui %lt3A_78 : i1 to i32
      %cond3A_80 = arith.constant 0 : i32
      %cond3A_81 = arith.cmpi ne, %convert_element_type3A_79, %cond3A_80 : i32
      scf.if %cond3A_81 {
        %add3A_136 = arith.constant 2 : i32
        %add3A_137 = arith.addi %add3A_56, %add3A_136 : i32
        %mul3A_138 = arith.constant 32 : i32
        %mul3A_139 = arith.muli %add3A_137, %mul3A_138 : i32
        %dma_start3A_140 = tpu.memref_slice %arg5[%mul3A_139] : memref<1024xi32, #tpu.memory_space<vmem>> -> memref<32xi32, #tpu.memory_space<vmem>>
        %dma_start3A_141 = arith.constant 0 : i32
        %dma_start3A_142 = arith.constant 0 : i32
        %dma_start3A_143 = tpu.memref_slice %arg2[%dma_start3A_141, %dma_start3A_142] : memref<129x768xf32, #tpu.memory_space<hbm>> -> memref<129x768xf32, #tpu.memory_space<hbm>>
        tpu.enqueue_indirect_dma source(%dma_start3A_143 : memref<129x768xf32, #tpu.memory_space<hbm>>) target(%arg9 : memref<32x768xf32, #tpu.memory_space<vmem>>) offsets(%dma_start3A_140 : memref<32xi32, #tpu.memory_space<vmem>>) semaphore(%arg13 : memref<!tpu.dma_semaphore, #tpu.memory_space<semaphore_mem>>)
      } else {
      }
      %add3A_82 = arith.constant 2 : i32
      %add3A_83 = arith.addi %add3A_31, %add3A_82 : i32
      %mul3A_84 = arith.constant 32 : i32
      %mul3A_85 = arith.muli %add3A_83, %mul3A_84 : i32
      %dma_wait3A_86 = tpu.memref_slice %arg5[%mul3A_85] : memref<1024xi32, #tpu.memory_space<vmem>> -> memref<32xi32, #tpu.memory_space<vmem>>
      %dma_wait3A_87 = arith.constant 0 : i32
      %dma_wait3A_88 = arith.constant 0 : i32
      %dma_wait3A_89 = tpu.memref_slice %arg2[%dma_wait3A_87, %dma_wait3A_88] : memref<129x768xf32, #tpu.memory_space<hbm>> -> memref<129x768xf32, #tpu.memory_space<hbm>>
      tpu.wait_indirect_dma semaphore(%arg12 : memref<!tpu.dma_semaphore, #tpu.memory_space<semaphore_mem>>) src(%dma_wait3A_89 : memref<129x768xf32, #tpu.memory_space<hbm>>) dst(%arg8 : memref<32x768xf32, #tpu.memory_space<vmem>>)
      %mul3A_90 = arith.constant 32 : i32
      %mul3A_91 = arith.muli %add3A_83, %mul3A_90 : i32
      %add3A_92 = arith.addi %mul3A_2, %mul3A_91 : i32
      %dma_start3A_93 = arith.constant 0 : i32
      %dma_start3A_94 = tpu.memref_slice %arg4[%add3A_92, %dma_start3A_93] : memref<262144x768xf32, #tpu.memory_space<hbm>> -> memref<32x768xf32, #tpu.memory_space<hbm>>
      %dma_start3A_95 = arith.constant 0 : i32
      %dma_start3A_96 = tpu.memref_slice %arg4[%add3A_92, %dma_start3A_95] : memref<262144x768xf32, #tpu.memory_space<hbm>> -> memref<32x768xf32, #tpu.memory_space<hbm>>
      tpu.enqueue_dma source(%arg8 : memref<32x768xf32, #tpu.memory_space<vmem>>) target(%dma_start3A_96 : memref<32x768xf32, #tpu.memory_space<hbm>>) target_semaphore(%arg16 : memref<!tpu.dma_semaphore, #tpu.memory_space<semaphore_mem>>)
      %ge3A_97 = arith.constant 2 : i32
      %ge3A_98 = arith.cmpi sge, %add3A_83, %ge3A_97 : i32
      %convert_element_type3A_99 = arith.extui %ge3A_98 : i1 to i32
      %cond3A_100 = arith.constant 0 : i32
      %cond3A_101 = arith.cmpi ne, %convert_element_type3A_99, %cond3A_100 : i32
      scf.if %cond3A_101 {
        %sub3A = arith.constant 2 : i32
        %sub3A_136 = arith.subi %add3A_83, %sub3A : i32
        %mul3A_137 = arith.constant 32 : i32
        %mul3A_138 = arith.muli %sub3A_136, %mul3A_137 : i32
        %add3A_139 = arith.addi %mul3A_2, %mul3A_138 : i32
        %dma_wait3A_140 = arith.constant 0 : i32
        %dma_wait3A_141 = tpu.memref_slice %arg4[%add3A_139, %dma_wait3A_140] : memref<262144x768xf32, #tpu.memory_space<hbm>> -> memref<32x768xf32, #tpu.memory_space<hbm>>
        %dma_wait3A_142 = arith.constant 0 : i32
        %dma_wait3A_143 = tpu.memref_slice %arg4[%add3A_139, %dma_wait3A_142] : memref<262144x768xf32, #tpu.memory_space<hbm>> -> memref<32x768xf32, #tpu.memory_space<hbm>>
        tpu.wait_dma2 semaphore(%arg14 : memref<!tpu.dma_semaphore, #tpu.memory_space<semaphore_mem>>) src(%arg6 : memref<32x768xf32, #tpu.memory_space<vmem>>) dst(%dma_wait3A_143 : memref<32x768xf32, #tpu.memory_space<hbm>>)
      } else {
      }
      %add3A_102 = arith.constant 2 : i32
      %add3A_103 = arith.addi %add3A_83, %add3A_102 : i32
      %lt3A_104 = arith.constant 32 : i32
      %lt3A_105 = arith.cmpi slt, %add3A_103, %lt3A_104 : i32
      %convert_element_type3A_106 = arith.extui %lt3A_105 : i1 to i32
      %cond3A_107 = arith.constant 0 : i32
      %cond3A_108 = arith.cmpi ne, %convert_element_type3A_106, %cond3A_107 : i32
      scf.if %cond3A_108 {
        %add3A_136 = arith.constant 2 : i32
        %add3A_137 = arith.addi %add3A_83, %add3A_136 : i32
        %mul3A_138 = arith.constant 32 : i32
        %mul3A_139 = arith.muli %add3A_137, %mul3A_138 : i32
        %dma_start3A_140 = tpu.memref_slice %arg5[%mul3A_139] : memref<1024xi32, #tpu.memory_space<vmem>> -> memref<32xi32, #tpu.memory_space<vmem>>
        %dma_start3A_141 = arith.constant 0 : i32
        %dma_start3A_142 = arith.constant 0 : i32
        %dma_start3A_143 = tpu.memref_slice %arg2[%dma_start3A_141, %dma_start3A_142] : memref<129x768xf32, #tpu.memory_space<hbm>> -> memref<129x768xf32, #tpu.memory_space<hbm>>
        tpu.enqueue_indirect_dma source(%dma_start3A_143 : memref<129x768xf32, #tpu.memory_space<hbm>>) target(%arg6 : memref<32x768xf32, #tpu.memory_space<vmem>>) offsets(%dma_start3A_140 : memref<32xi32, #tpu.memory_space<vmem>>) semaphore(%arg10 : memref<!tpu.dma_semaphore, #tpu.memory_space<semaphore_mem>>)
      } else {
      }
      %add3A_109 = arith.constant 3 : i32
      %add3A_110 = arith.addi %add3A_31, %add3A_109 : i32
      %mul3A_111 = arith.constant 32 : i32
      %mul3A_112 = arith.muli %add3A_110, %mul3A_111 : i32
      %dma_wait3A_113 = tpu.memref_slice %arg5[%mul3A_112] : memref<1024xi32, #tpu.memory_space<vmem>> -> memref<32xi32, #tpu.memory_space<vmem>>
      %dma_wait3A_114 = arith.constant 0 : i32
      %dma_wait3A_115 = arith.constant 0 : i32
      %dma_wait3A_116 = tpu.memref_slice %arg2[%dma_wait3A_114, %dma_wait3A_115] : memref<129x768xf32, #tpu.memory_space<hbm>> -> memref<129x768xf32, #tpu.memory_space<hbm>>
      tpu.wait_indirect_dma semaphore(%arg13 : memref<!tpu.dma_semaphore, #tpu.memory_space<semaphore_mem>>) src(%dma_wait3A_116 : memref<129x768xf32, #tpu.memory_space<hbm>>) dst(%arg9 : memref<32x768xf32, #tpu.memory_space<vmem>>)
      %mul3A_117 = arith.constant 32 : i32
      %mul3A_118 = arith.muli %add3A_110, %mul3A_117 : i32
      %add3A_119 = arith.addi %mul3A_2, %mul3A_118 : i32
      %dma_start3A_120 = arith.constant 0 : i32
      %dma_start3A_121 = tpu.memref_slice %arg4[%add3A_119, %dma_start3A_120] : memref<262144x768xf32, #tpu.memory_space<hbm>> -> memref<32x768xf32, #tpu.memory_space<hbm>>
      %dma_start3A_122 = arith.constant 0 : i32
      %dma_start3A_123 = tpu.memref_slice %arg4[%add3A_119, %dma_start3A_122] : memref<262144x768xf32, #tpu.memory_space<hbm>> -> memref<32x768xf32, #tpu.memory_space<hbm>>
      tpu.enqueue_dma source(%arg9 : memref<32x768xf32, #tpu.memory_space<vmem>>) target(%dma_start3A_123 : memref<32x768xf32, #tpu.memory_space<hbm>>) target_semaphore(%arg17 : memref<!tpu.dma_semaphore, #tpu.memory_space<semaphore_mem>>)
      %ge3A_124 = arith.constant 2 : i32
      %ge3A_125 = arith.cmpi sge, %add3A_110, %ge3A_124 : i32
      %convert_element_type3A_126 = arith.extui %ge3A_125 : i1 to i32
      %cond3A_127 = arith.constant 0 : i32
      %cond3A_128 = arith.cmpi ne, %convert_element_type3A_126, %cond3A_127 : i32
      scf.if %cond3A_128 {
        %sub3A = arith.constant 2 : i32
        %sub3A_136 = arith.subi %add3A_110, %sub3A : i32
        %mul3A_137 = arith.constant 32 : i32
        %mul3A_138 = arith.muli %sub3A_136, %mul3A_137 : i32
        %add3A_139 = arith.addi %mul3A_2, %mul3A_138 : i32
        %dma_wait3A_140 = arith.constant 0 : i32
        %dma_wait3A_141 = tpu.memref_slice %arg4[%add3A_139, %dma_wait3A_140] : memref<262144x768xf32, #tpu.memory_space<hbm>> -> memref<32x768xf32, #tpu.memory_space<hbm>>
        %dma_wait3A_142 = arith.constant 0 : i32
        %dma_wait3A_143 = tpu.memref_slice %arg4[%add3A_139, %dma_wait3A_142] : memref<262144x768xf32, #tpu.memory_space<hbm>> -> memref<32x768xf32, #tpu.memory_space<hbm>>
        tpu.wait_dma2 semaphore(%arg15 : memref<!tpu.dma_semaphore, #tpu.memory_space<semaphore_mem>>) src(%arg7 : memref<32x768xf32, #tpu.memory_space<vmem>>) dst(%dma_wait3A_143 : memref<32x768xf32, #tpu.memory_space<hbm>>)
      } else {
      }
      %add3A_129 = arith.constant 2 : i32
      %add3A_130 = arith.addi %add3A_110, %add3A_129 : i32
      %lt3A_131 = arith.constant 32 : i32
      %lt3A_132 = arith.cmpi slt, %add3A_130, %lt3A_131 : i32
      %convert_element_type3A_133 = arith.extui %lt3A_132 : i1 to i32
      %cond3A_134 = arith.constant 0 : i32
      %cond3A_135 = arith.cmpi ne, %convert_element_type3A_133, %cond3A_134 : i32
      scf.if %cond3A_135 {
        %add3A_136 = arith.constant 2 : i32
        %add3A_137 = arith.addi %add3A_110, %add3A_136 : i32
        %mul3A_138 = arith.constant 32 : i32
        %mul3A_139 = arith.muli %add3A_137, %mul3A_138 : i32
        %dma_start3A_140 = tpu.memref_slice %arg5[%mul3A_139] : memref<1024xi32, #tpu.memory_space<vmem>> -> memref<32xi32, #tpu.memory_space<vmem>>
        %dma_start3A_141 = arith.constant 0 : i32
        %dma_start3A_142 = arith.constant 0 : i32
        %dma_start3A_143 = tpu.memref_slice %arg2[%dma_start3A_141, %dma_start3A_142] : memref<129x768xf32, #tpu.memory_space<hbm>> -> memref<129x768xf32, #tpu.memory_space<hbm>>
        tpu.enqueue_indirect_dma source(%dma_start3A_143 : memref<129x768xf32, #tpu.memory_space<hbm>>) target(%arg7 : memref<32x768xf32, #tpu.memory_space<vmem>>) offsets(%dma_start3A_140 : memref<32xi32, #tpu.memory_space<vmem>>) semaphore(%arg11 : memref<!tpu.dma_semaphore, #tpu.memory_space<semaphore_mem>>)
      } else {
      }
    }
    %scan3A_15 = arith.constant 8 : i32
    %add3A_16 = arith.constant 960 : i32
    %add3A_17 = arith.addi %mul3A_2, %add3A_16 : i32
    %dma_wait3A = arith.constant 0 : i32
    %dma_wait3A_18 = tpu.memref_slice %arg4[%add3A_17, %dma_wait3A] : memref<262144x768xf32, #tpu.memory_space<hbm>> -> memref<32x768xf32, #tpu.memory_space<hbm>>
    %dma_wait3A_19 = arith.constant 0 : i32
    %dma_wait3A_20 = tpu.memref_slice %arg4[%add3A_17, %dma_wait3A_19] : memref<262144x768xf32, #tpu.memory_space<hbm>> -> memref<32x768xf32, #tpu.memory_space<hbm>>
    tpu.wait_dma2 semaphore(%arg16 : memref<!tpu.dma_semaphore, #tpu.memory_space<semaphore_mem>>) src(%arg8 : memref<32x768xf32, #tpu.memory_space<vmem>>) dst(%dma_wait3A_20 : memref<32x768xf32, #tpu.memory_space<hbm>>)
    %add3A_21 = arith.constant 992 : i32
    %add3A_22 = arith.addi %mul3A_2, %add3A_21 : i32
    %dma_wait3A_23 = arith.constant 0 : i32
    %dma_wait3A_24 = tpu.memref_slice %arg4[%add3A_22, %dma_wait3A_23] : memref<262144x768xf32, #tpu.memory_space<hbm>> -> memref<32x768xf32, #tpu.memory_space<hbm>>
    %dma_wait3A_25 = arith.constant 0 : i32
    %dma_wait3A_26 = tpu.memref_slice %arg4[%add3A_22, %dma_wait3A_25] : memref<262144x768xf32, #tpu.memory_space<hbm>> -> memref<32x768xf32, #tpu.memory_space<hbm>>
    tpu.wait_dma2 semaphore(%arg17 : memref<!tpu.dma_semaphore, #tpu.memory_space<semaphore_mem>>) src(%arg9 : memref<32x768xf32, #tpu.memory_space<vmem>>) dst(%dma_wait3A_26 : memref<32x768xf32, #tpu.memory_space<hbm>>)
    return
  }
}

module attributes {stable_mosaic.version = 14 : i64} {
  func.func @_zero_row0_body(%arg0: memref<129x768xf32, #tpu.memory_space<vmem>>, %arg1: memref<129x768xf32, #tpu.memory_space<vmem>>) attributes {dimension_semantics = [], scalar_prefetch = 0 : i64, scratch_operands = 0 : i64, tpu.core_type = #tpu.core_type<tc>} {
    %iota3A = tpu.iota {dimensions = array<i32: 0>} : vector<129x768xi32>
    %eq3A = arith.constant 0 : i32
    %eq3A_0 = vector.broadcast %eq3A : i32 to vector<129x768xi32>
    %eq3A_1 = arith.cmpi eq, %iota3A, %eq3A_0 : vector<129x768xi32>
    %get3A = arith.constant 0 : index
    %get3A_2 = arith.constant 0 : index
    %get3A_3 = vector.load %arg0[%get3A, %get3A_2] : memref<129x768xf32, #tpu.memory_space<vmem>>, vector<129x768xf32>
    %jit3A = arith.constant 0.000000e+00 : f32
    %broadcast_in_dim3A = vector.broadcast %jit3A : f32 to vector<129x768xf32>
    %select_n3A = arith.select %eq3A_1, %broadcast_in_dim3A, %get3A_3 : vector<129x768xi1>, vector<129x768xf32>
    %swap3A = arith.constant 0 : index
    %swap3A_4 = arith.constant 0 : index
    %swap3A_5 = vector.load %arg1[%swap3A, %swap3A_4] : memref<129x768xf32, #tpu.memory_space<vmem>>, vector<129x768xf32>
    tpu.vector_store %arg1[%swap3A, %swap3A_4], %select_n3A {strides = array<i32>} : memref<129x768xf32, #tpu.memory_space<vmem>>, vector<129x768xf32>,
    return
  }
}

module attributes {stable_mosaic.version = 14 : i64} {
  func.func @_onehot_fill_body(%arg0: i32, %arg1: memref<4096x1xi32, #tpu.memory_space<vmem>>, %arg2: memref<129x768xf32, #tpu.memory_space<vmem>>, %arg3: memref<8x128xf32, #tpu.memory_space<vmem>>, %arg4: memref<4096x768xf32, #tpu.memory_space<vmem>>) attributes {dimension_semantics = [#tpu.dimension_semantics<arbitrary>], iteration_bounds = array<i64: 56>, scalar_prefetch = 0 : i64, scratch_operands = 0 : i64, tpu.core_type = #tpu.core_type<tc>, window_params = [{transform_indices = @transform_0, window_bounds = array<i64: 4096, 1>}, {pipeline_mode = #tpu.pipeline_mode<synchronous>, transform_indices = @transform_1, window_bounds = array<i64: 129, 768>}, {transform_indices = @transform_2, window_bounds = array<i64: 8, 128>}, {transform_indices = @transform_3, window_bounds = array<i64: 4096, 768>}]} {
    %get3A = arith.constant 0 : index
    %get3A_0 = arith.constant 0 : index
    %get3A_1 = vector.load %arg1[%get3A, %get3A_0] : memref<4096x1xi32, #tpu.memory_space<vmem>>, vector<4096x1xi32>
    %iota3A = tpu.iota {dimensions = array<i32: 1>} : vector<1x129xi32>
    %eq3A = vector.broadcast %get3A_1 : vector<4096x1xi32> to vector<4096x129xi32>
    %eq3A_2 = vector.broadcast %iota3A : vector<1x129xi32> to vector<4096x129xi32>
    %eq3A_3 = arith.cmpi eq, %eq3A, %eq3A_2 : vector<4096x129xi32>
    %ge3A = arith.constant 1 : i32
    %ge3A_4 = vector.broadcast %ge3A : i32 to vector<4096x1xi32>
    %ge3A_5 = arith.cmpi sge, %get3A_1, %ge3A_4 : vector<4096x1xi32>
    %and3A = vector.broadcast %ge3A_5 : vector<4096x1xi1> to vector<4096x129xi1>
    %and3A_6 = arith.andi %eq3A_3, %and3A : vector<4096x129xi1>
    %jit3A = arith.constant 1.000000e+00 : f32
    %jit3A_7 = arith.constant 0.000000e+00 : f32
    %broadcast_in_dim3A = vector.broadcast %jit3A : f32 to vector<4096x129xf32>
    %broadcast_in_dim3A_8 = vector.broadcast %jit3A_7 : f32 to vector<4096x129xf32>
    %select_n3A = arith.select %and3A_6, %broadcast_in_dim3A, %broadcast_in_dim3A_8 : vector<4096x129xi1>, vector<4096x129xf32>
    %get3A_9 = arith.constant 0 : index
    %get3A_10 = arith.constant 0 : index
    %get3A_11 = vector.load %arg2[%get3A_9, %get3A_10] : memref<129x768xf32, #tpu.memory_space<vmem>>, vector<129x768xf32>
    %dot_general3A = arith.constant dense<0.000000e+00> : vector<4096x768xf32>
    %dot_general3A_12 = tpu.matmul %select_n3A, %get3A_11, %dot_general3A {dimension_numbers = #tpu.dot_dimension_numbers<[1], [0], [0], [1], [0, 0, 1, 1], [], []>, transpose_lhs_hint = false} : vector<4096x129xf32>, vector<129x768xf32>, vector<4096x768xf32> -> vector<4096x768xf32>
    %swap3A = arith.constant 0 : index
    %swap3A_13 = arith.constant 0 : index
    %swap3A_14 = vector.load %arg4[%swap3A, %swap3A_13] : memref<4096x768xf32, #tpu.memory_space<vmem>>, vector<4096x768xf32>
    tpu.vector_store %arg4[%swap3A, %swap3A_13], %dot_general3A_12 {strides = array<i32>} : memref<4096x768xf32, #tpu.memory_space<vmem>>, vector<4096x768xf32>,
    return
  }
  func.func @transform_0(%arg0: i32) -> (i32, i32) {
    %add3A = arith.constant 8 : i32
    %add3A_0 = arith.addi %arg0, %add3A : i32
    %c0_i32 = arith.constant 0 : i32
    %c0_i32_1 = arith.constant 0 : i32
    return %add3A_0, %c0_i32 : i32, i32
  }
  func.func @transform_1(%arg0: i32) -> (i32, i32) {
    %c0_i32 = arith.constant 0 : i32
    %c0_i32_0 = arith.constant 0 : i32
    %c0_i32_1 = arith.constant 0 : i32
    return %c0_i32, %c0_i32_0 : i32, i32
  }
  func.func @transform_2(%arg0: i32) -> (i32, i32) {
    %c0_i32 = arith.constant 0 : i32
    %c0_i32_0 = arith.constant 0 : i32
    %c0_i32_1 = arith.constant 0 : i32
    return %c0_i32, %c0_i32_0 : i32, i32
  }
  func.func @transform_3(%arg0: i32) -> (i32, i32) {
    %add3A = arith.constant 8 : i32
    %add3A_0 = arith.addi %arg0, %add3A : i32
    %c0_i32 = arith.constant 0 : i32
    %c0_i32_1 = arith.constant 0 : i32
    return %add3A_0, %c0_i32 : i32, i32
  }
}

</mosaic_0001>

<sc_bundles>
// kernel: kernel.5.cloned.1.call-start
scs
__scs_entry_jumppad:
0x0: {  	(pc) =	sbr.rel $0x88, $3  }
0x1: {  	(tag) =	ssettag $0x0;
	lr =	simm.s32 $0x1  }
0x2: {  	[smem:$0x3F9F] =	sst lr;
	_ =	strace $0xD0000000  }
0x3: {  	_ = 	snop  }
0x4: {  	_ = 	snop  }
0x5: {  	_ = 	snop  }
0x6: {  	_ = 	snop  }
0x7: {  	_ = 	snop  }
__scs_overlays_trampoline_lowered:
0x8: {  	[smem:$0x3FAE] =	sst s0  }
0x9: {  	[smem:$0x3FAF] =	sst s1  }
0xa: {  	[smem:$0x3FB0] =	sst s2  }
0xb: {  	[smem:$0x3FB1] =	sst s3  }
0xc: {  	[smem:$0x3FB2] =	sst s4  }
0xd: {  	[smem:$0x3FB3] =	sst s5  }
0xe: {  	[smem:$0x3FB4] =	sst s6  }
0xf: {  	[smem:$0x3FB5] =	sst s7  }
0x10: {  	[smem:$0x3FB6] =	sst s8  }
0x11: {  	[smem:$0x3FB7] =	sst s9;
	s0 =	simm.s32 @!p0 $0x0  }
0x12: {  	s1 =	sld [smem:$0x3F9D];
	s0 =	simm.s32 @p0 $0x1  }
0x13: {  	[smem:$0x3FB8] =	sst s0;
	s0 =	simm.s32 @!p1 $0x0  }
0x14: {  	s2 =	sld [smem:$0x3F9C];
	s0 =	simm.s32 @p1 $0x1  }
0x15: {  	[smem:$0x3FB9] =	sst s0;
	s0 =	simm.s32 @!p2 $0x0  }
0x16: {  	s3 =	sld [smem:$0x3FDB];
	s0 =	simm.s32 @p2 $0x1  }
0x17: {  	s4 =	simm.s32 $0x1BF5;
	[smem:$0x3FBB] =	sst s0  }
0x18: {  	s0 =	sld [smem:$0x3F9E];
	_ =	swait.ge [sflag:s4], $0x0  }
0x19: {  	s7 =	sld [smem:$0x3F9F]  }
0x1a: {  	s8 =	sadd.s32 $0xFFFFE003, lr  }
0x1b: {  	s9 =	sadd.s32 $0xFFFFFEF7, lr;
	s5 =	simm.s32 $0xFFFFFFFF;
	p2 =	slt.u32 s8, $0xFFFFF086  }
0x1c: {  	p1 =	slt.u32 s9, $0xF7A;
	s5 =	simm.s32 @!p2 $0x0  }
0x1d: {  	s5 =	simm.s32 @p1 $0x1;
	p0 =	seq.s32 s7, s2  }
0x1e: {  	s7 =	smul.u32 @!p0 $0xF7A, s2;
	p2 =	seq.s32 @!p0 s5, $0x0  }
0x1f: {  	s9 =	smul.u32 $0xF7A, s1;
	s8 =	simm.s32 @!p0 $0x1BF5;
	p2 =	por !p2, p0  }
0x20: {  	[sflag:s8] =	ssyncset.s32 @!p0 $0xFFFFF086;
	s6 =	sadd.s32 @!p0 s3, s7;
	s7 =	simm.s32 @!p0 $0x108  }
0x21: {  	s3 =	sadd.s32 s3, s9;
	s6 =	sadd.s32 @!p0 $0x88, s6;
	s7 =	simm.s32 @p2 $0x1082  }
0x22: {  	[simem:s7], [sflag:s8] =	dma.local @!p0 [hbm:s6], $0xF7A  }
0x23: {  	s9 =	sor.u32 $0xD0000000, s2;
	s6 =	simm.s32 $0x108;
	_ =	swait.ge @!p0 [sflag:s8], $0x0  }
0x24: {  	s3 =	sadd.s32 $0x88, s3;
	s6 =	simm.s32 @!p1 $0x1082;
	[sflag:s4] =	ssyncset.s32 $0xFFFFF086  }
0x25: {  	[simem:s6], [sflag:s4] =	dma.local [hbm:s3], $0xF7A  }
0x26: {  	[smem:$0x3F9F] =	sst s1;
	(tag) =	ssettag s2;
	_ =	strace s9  }
0x27: {  	s1 =	sld [smem:$0x3FAF]  }
0x28: {  	s2 =	sld [smem:$0x3FB0]  }
0x29: {  	s4 =	sld [smem:$0x3FB2]  }
0x2a: {  	p0 =	seq.s32 s5, $0x0;
	s5 =	sld [smem:$0x3FB3]  }
0x2b: {  	s6 =	sld [smem:$0x3FB4]  }
0x2c: {  	s7 =	sld [smem:$0x3FB5]  }
0x2d: {  	s3 =	simm.s32 $0x108;
	s8 =	sld [smem:$0x3FB6]  }
0x2e: {  	s3 =	simm.s32 @!p0 $0x1082;
	s9 =	sld [smem:$0x3FB7]  }
0x2f: {  	lr =	sadd.s32 s0, s3;
	s0 =	sld [smem:$0x3FAE]  }
0x30: {  	s3 =	sld [smem:$0x3FB1]  }
0x31: {  	[smem:$0x3FBA] =	sst s10  }
0x32: {  	s10 =	sld [smem:$0x3FB8];
	_ =	sdelay $0x3  }
0x33: {  	p0 =	seq.s32 s10, $0x1;
	s10 =	sld [smem:$0x3FBA];
	_ =	sdelay $0x3  }
0x34: {  	[smem:$0x3FBA] =	sst s10  }
0x35: {  	s10 =	sld [smem:$0x3FB9];
	_ =	sdelay $0x3  }
0x36: {  	p1 =	seq.s32 s10, $0x1;
	s10 =	sld [smem:$0x3FBA];
	_ =	sdelay $0x3  }
0x37: {  	[smem:$0x3FBA] =	sst s10  }
0x38: {  	s10 =	sld [smem:$0x3FBB]  }
0x39: {  	_ = 	snop;
	(pc) =	sbr.ind lr, $3  }
0x3a: {  	_ = 	snop  }
0x3b: {  	_ = 	snop  }
0x3c: {  	p2 =	seq.s32 s10, $0x1;
	s10 =	sld [smem:$0x3FBA]  }
0x3d: {  	_ =	shalt  }
0x3e: {  	_ =	shalt  }
0x3f: {  	_ =	shalt  }
0x40: {  	_ =	shalt  }
0x41: {  	_ =	shalt  }
0x42: {  	_ =	shalt  }
0x43: {  	_ =	shalt  }
0x44: {  	_ =	shalt  }
0x45: {  	_ =	shalt  }
0x46: {  	_ =	shalt  }
0x47: {  	_ =	shalt  }
0x48: {  	_ =	shalt  }
0x49: {  	_ =	shalt  }
0x4a: {  	_ =	shalt  }
0x4b: {  	_ =	shalt  }
0x4c: {  	_ =	shalt  }
0x4d: {  	_ =	shalt  }
0x4e: {  	_ =	shalt  }
0x4f: {  	_ =	shalt  }
0x50: {  	_ =	shalt  }
0x51: {  	_ =	shalt  }
0x52: {  	_ =	shalt  }
0x53: {  	_ =	shalt  }
0x54: {  	_ =	shalt  }
0x55: {  	_ =	shalt  }
0x56: {  	_ =	shalt  }
0x57: {  	_ =	shalt  }
0x58: {  	_ =	shalt  }
0x59: {  	_ =	shalt  }
0x5a: {  	_ =	shalt  }
0x5b: {  	_ =	shalt  }
0x5c: {  	_ =	shalt  }
0x5d: {  	_ =	shalt  }
0x5e: {  	_ =	shalt  }
0x5f: {  	_ =	shalt  }
0x60: {  	_ =	shalt  }
0x61: {  	_ =	shalt  }
0x62: {  	_ =	shalt  }
0x63: {  	_ =	shalt  }
0x64: {  	_ =	shalt  }
0x65: {  	_ =	shalt  }
0x66: {  	_ =	shalt  }
0x67: {  	_ =	shalt  }
0x68: {  	_ =	shalt  }
0x69: {  	_ =	shalt  }
0x6a: {  	_ =	shalt  }
0x6b: {  	_ =	shalt  }
0x6c: {  	_ =	shalt  }
0x6d: {  	_ =	shalt  }
0x6e: {  	_ =	shalt  }
0x6f: {  	_ =	shalt  }
0x70: {  	_ =	shalt  }
0x71: {  	_ =	shalt  }
0x72: {  	_ =	shalt  }
0x73: {  	_ =	shalt  }
0x74: {  	_ =	shalt  }
0x75: {  	_ =	shalt  }
0x76: {  	_ =	shalt  }
0x77: {  	_ =	shalt  }
0x78: {  	_ =	shalt  }
0x79: {  	_ =	shalt  }
0x7a: {  	_ =	shalt  }
0x7b: {  	_ =	shalt  }
0x7c: {  	_ =	shalt  }
0x7d: {  	_ =	shalt  }
0x7e: {  	_ =	shalt  }
0x7f: {  	_ =	shalt  }
0x80: {  	_ =	shalt  }
0x81: {  	_ =	shalt  }
0x82: {  	_ =	shalt  }
0x83: {  	_ =	shalt  }
0x84: {  	_ =	shalt  }
0x85: {  	_ =	shalt  }
0x86: {  	_ =	shalt  }
0x87: {  	_ =	shalt  }
.Lfunc_end0:
.L_simem_size_0:
called_computation_lowered:
.L_overlay_start_0:
0x88: {  	s2 =	sld [smem:$0x3FD9]  }
0x89: {  	s3 =	sld [smem:$0x3FFE];
	_ =	sdelay $0x1  }
0x8a: {  	s1 =	srdreg.scid  }
0x8b: {  	s0 =	sand.u32 $0x1, s1  }
0x8c: {  	s17 =	sshll.u32 s0, $0xA;
	s2 =	sadd.s32 s3, s2  }
0x8d: {  	s2 =	sadd.s32 s2, s17  }
0x8e: {  	[smem:$0x3FC6] =	sst s2  }
0x8f: {  	_ = 	snop  }
0x90: {  	s2 =	sld [smem:$0x3FD0];
	(tm) =	ssettm $0x1  }
0x91: {  	s18 =	sld [smem:$0x3FFB];
	_ =	sdelay $0x3  }
0x92: {  	_ =	strace s18  }
0x93: {  	s3 =	sld [smem:$0x3FFC];
	_ =	sdelay $0x3  }
0x94: {  	_ =	strace s3  }
0x95: {  	s3 =	sld [smem:$0x3FFD];
	_ =	sdelay $0x3  }
0x96: {  	_ =	strace s3  }
0x97: {  	_ =	strace $0x8FFFFFFF  }
0x98: {  	s19 =	sld [smem:$0x3FDB];
	_ =	sdelay $0x1  }
0x99: {  	s4 =	simm.s32 $_scs_section_size  }
0x9a: {  	s5 =	simm.s32 $_size__tile_overlayer_lowered;
	s6 =	simm.s32 $_tile_overlayer_lowered  }
0x9b: {  	s22 =	simm.s32 $0x1BFF;
	s21 =	sshll.u32 s6, $0x1;
	s3 =	sadd.s32 s4, s19  }
0x9c: {  	s7 =	simm.s32 $0x0;
	s20 =	sshll.u32 s5, $0x1;
	s5 =	sadd.s32 s21, s3  }
0x9d: {  	[timem:s7], [sflag:s22] =	dma.local [hbm:s5], s20  }
0x9e: {  	_ =	swait.ge [sflag:s22], s20  }
0x9f: {  	s4 =	ssub.s32 $0x0, s20;
	[sflag:s22] =	ssyncset.done $0x0  }
0xa0: {  	[sflag:s22] =	ssyncadd.s32 s4;
	_ =	sdelay $0x1  }
0xa1: {  	s23 =	simm.s32 $0x1B8B  }
0xa2: {  	_ =	swait.ge [sflag:s23], $0x1  }
0xa3: {  	[sflag:s23] =	ssyncset.done $0x0  }
0xa4: {  	s25 =	simm.s32 $0x1B8E;
	s24 =	sld [smem:$0x3FFE];
	[sflag:s23] =	ssyncadd.s32 $0xFFFFFFFF  }
0xa5: {  	s26 =	simm.s32 $execute0_lowered;
	[smem:$0x3FD2] =	sst s25  }
0xa6: {  	s5 =	sshll.u32 s26, $0x1;
	_ =	strace $0x80000046;
	[dreg:$0x1] =	wrdreg $0xFFFFFFFF  }
0xa7: {  	s28 =	simm.s32 $_size_execute0_lowered;
	s3 =	sadd.s32 s3, s5;
	[dreg:$0x0] =	wrdreg $0x0  }
0xa8: {  	s5 =	sshll.u32 s28, $0x1;
	[dreg:$0x2] =	wrdreg s3  }
0xa9: {  	[dreg:$0x3] =	wrdreg s5  }
0xaa: {  	[dreg:$0x4] =	wrdreg $0xC0  }
0xab: {  	_ =	task [dreg:s7], $0x5FFFF  }
0xac: {  	[dreg:$0x1] =	wrdreg $0xFFFFFFFF  }
0xad: {  	[dreg:$0x0] =	wrdreg $0x60  }
0xae: {  	[dreg:$0x2] =	wrdreg s24  }
0xaf: {  	[dreg:$0x3] =	wrdreg s2  }
0xb0: {  	[dreg:$0x4] =	wrdreg $0x9  }
0xb1: {  	_ =	task.clear_ibuf [dreg:s7], $0x5FFFF;
	_ =	strace $0x90000046  }
0xb2: {  	s29 =	simm.s32 $0x9;
	_ =	strace $0x80000048  }
0xb3: {  	_ =	swait.ge [sflag:s29], $0x1  }
0xb4: {  	[sflag:s29] =	ssyncadd.s32 $0xFFFFFFFF  }
0xb5: {  	_ =	strace $0x90000048  }
0xb6: {  	_ =	sfence  }
0xb7: {  	s30 =	sld [smem:$0x0];
	_ =	sdelay $0x2  }
0xb8: {  	s31 =	sshll.u32 s1, $0xD;
	s1 =	sshrl.u32 s1, $0x2  }
0xb9: {  	s3 =	sand.u32 $0x4000, s31;
	s1 =	sadd.s32 s1, s30  }
0xba: {  	s0 =	sor.u32 s3, s0;
	s1 =	sshll.u32 s1, $0x11  }
0xbb: {  	s0 =	sor.u32 s1, s0  }
0xbc: {  	s0 =	sadd.s32 $0x8F2B, s0  }
0xbd: {  	[sflag:s0] =	ssyncadd.remote.s32 $0x1  }
0xbe: {  	_ =	sfence.sel $0xFFFF  }
0xbf: {  	[dreg:$0x0] =	wrdreg $0xFFFFFFFF;
	(pc) =	sbr.abs _section_cstart, $3  }
0xc0: {  	[dreg:$0x1] =	wrdreg $0xFFFFFFFF  }
0xc1: {  	_ =	task.clear_ibuf [dreg:s7], $0x2FFFF;
	_ =	strace $0x9FFFFFFF  }
0xc2: {  	(tm) =	ssettm $0x7FFFFFFF  }
0xc3: {  	_ =	shalt  }
tec
execute0_lowered:
.L_overlay_start_1:
0x0: {  	(tag) =	ssettag $0x1  }
0x1: {  	s0 =	rddreg [dreg:$0x0]  }
0x2: {  	s1 =	rddreg [dreg:$0x1];
	s3 =	srdreg.scid;
	s2 =	simm.s32 $0x0  }
0x3: {  	s5 =	stileid.u32;
	s16 =	simm.s32 $0x1;
	s17 =	simm.s32 $0xC400  }
0x4: {  	s28 =	simm.s32 $0x12400;
	s29 =	simm.s32 $0x12C00;
	s30 =	simm.s32 $0x13400  }
0x5: {  	s31 =	simm.s32 $0x13C00;
	s13 =	simm.s32 $0x15400;
	s14 =	simm.s32 $0x15C00  }
0x6: {  	s15 =	simm.s32 $0x16400;
	s18 =	simm.s32 $0x16C00;
	s19 =	simm.s32 $0x17400  }
0x7: {  	s20 =	simm.s32 $0x17C00;
	s21 =	simm.s32 $0x3;
	s22 =	simm.s32 $0x5  }
0x8: {  	s12 =	simm.s32 $0x0;
	s4 =	sand.u32 $0x1, s3;
	[smem:$0x7FF] =	sst s2  }
0x9: {  	s23 =	sshll.u32 s5, $0xB;
	s3 =	sadd.s32 $0x1C00, s0;
	s24 =	sshll.u32 s4, $0xA  }
0xa: {  	_ =	strace $0x80000047;
	s4 =	ssub.s32 $0x2, s4;
	s5 =	sor.u32 s24, s23  }
0xb: {  	s8 =	sshrl.u32 s4, $0x1;
	s24 =	simm.s32 $0x6400;
	s23 =	simm.s32 $0x4  }
0xc: {  	s6 =	sshrl.u32 s5, $0x3;
	s7 =	sor.u32 $0x40, s5;
	s5 =	sor.u32 $0x60, s5  }
0xd: {  	s4 =	ssub.s32 s4, s8;
	s7 =	sshrl.u32 s7, $0x3;
	s11 =	smul.u32 $0x300, s6  }
0xe: {  	s5 =	sshrl.u32 s5, $0x3;
	s9 =	sadd.s32 s6, s0;
	s7 =	smul.u32 $0x300, s7  }
.Ltmp0:
0xf: {  	s6 =	sadd.s32 $0x1E00, s0;
	s26 =	smax.u32 s4, $0x1;
	(pc) =	sbr.rel .LBB2_1-.Ltmp0, $4  }
0x10: {  	s4 =	simm.s32 $0x6;
	s10 =	smul.u32 $0x300, s5;
	s25 =	sadd.s32 $0xC00, s9  }
0x11: {  	v2 =	vlaneseq.u32;
	s5 =	sadd.s32 $0x1D00, s0;
	[dreg:$0x4] =	wrdreg s26;
	s26 =	simm.s32 $0x2  }
0x12: {  	vm0 =	vmmov $0xffff;
	v1 =	vshrl.u32 v2, $0x3;
	s0 =	simm.s32 $0x14400;
	[dreg:$0x3] =	wrdreg s25;
	s8 =	sadd.s32 s7, s1  }
0x13: {  	v0 =	vand.u32 $0x7, v2;
	v2 =	vor.u32 $0x8, v2;
	v1 =	vmul.u32 $0x8, v1;
	s9 =	sadd.s32 s10, s1;
	s10 =	sadd.s32 s11, s1;
	s1 =	simm.s32 $0x14C00  }
.LBB2_4:
0x14: {  	s7 =	simm.s32 $0x7  }
0x15: {  	_ =	swait.ge [sflag:s7], $0x6000  }
0x16: {  	[sflag:s7] =	ssyncset.done $0x0  }
0x17: {  	s11 =	simm.s32 $0x8;
	[sflag:s7] =	ssyncadd.s32 $0xFFFFA000  }
0x18: {  	_ =	swait.ge [sflag:s11], $0x6000  }
0x19: {  	s12 =	rddreg [dreg:$0x5]  }
0x1a: {  	s25 =	rddreg [dreg:$0x4];
	s12 =	sadd.s32 $0x1, s12  }
0x1b: {  	p0 =	sne.s32 s12, s25  }
.Ltmp1:
0x1c: {  	_ = 	snop;
	(pc) =	sbr.rel @!p0 .LBB2_5-.Ltmp1, $3  }
0x1d: {  	_ =	sdelay $0x1  }
0x1e: {  	[sflag:s11] =	ssyncset.done $0x0  }
0x1f: {  	[sflag:s11] =	ssyncadd.s32 $0xFFFFA000  }
.LBB2_1:
0x20: {  	[dreg:$0x5] =	wrdreg s12  }
0x21: {  	s7 =	rddreg [dreg:$0x3];
	s11 =	simm.s32 $0x9  }
0x22: {  	[tilespmem:s2], [sflag:$0x9] =	stream.linear.gather [hbm4b:s7+s2], $0x400, $0x38;
	[tilespmem:$0x18400] =	vst v63  }
0x23: {  	_ =	swait.ge [sflag:s11], $0x400  }
0x24: {  	[sflag:s11] =	ssyncset.done $0x0  }
0x25: {  	[sflag:s11] =	ssyncadd.s32 $0xFFFFFC00  }
0x26: {  	v3 =	vld [tilespmem:$0x0];
	_ =	sdelay $0x4  }
0x27: {  	v4 =	vshrl.u32 v3, $0x3  }
0x28: {  	v4 =	vmul.u32 $0x30, v4  }
0x29: {  	v3 =	vand.u32 $0x7, v3  }
0x2a: {  	v3 =	vor.u32 v3, v4  }
0x2b: {  	v4 =	vperm.xlane v3, v0;
	_ =	sdelay $0x1  }
0x2c: {  	v4 =	vadd.s32 v1, v4;
	_ =	sdelay $0x3  }
0x2d: {  	s12 =	simm.s32 $0x400;
	v3 =	vperm.xlane v3, v2  }
0x2e: {  	[tilespmem:s12], [sflag:$0x1] =	stream.indirect_vreg.gather [hbm4b:s3+s2], $0x80, v4, vm0, $0xb8;
	[tilespmem:$0x18400] =	vst v63  }
0x2f: {  	s25 =	simm.s32 $0xC00;
	v3 =	vadd.s32 v1, v3  }
0x30: {  	[tilespmem:s25], [sflag:$0x1] =	stream.indirect_vreg.gather [hbm4b:s5+s2], $0x80, v4, vm0, $0xb8;
	[tilespmem:$0x18400] =	vst v63  }
0x31: {  	s11 =	simm.s32 $0x1400  }
0x32: {  	[tilespmem:s11], [sflag:$0x1] =	stream.indirect_vreg.gather [hbm4b:s6+s2], $0x80, v4, vm0, $0xb8;
	[tilespmem:$0x18400] =	vst v63  }
0x33: {  	s12 =	simm.s32 $0x1C00  }
0x34: {  	[tilespmem:s12], [sflag:$0x1] =	stream.indirect_vreg.gather [hbm4b:s3+s2], $0x80, v3, vm0, $0xb8;
	[tilespmem:$0x18400] =	vst v63  }
0x35: {  	s25 =	simm.s32 $0x2400  }
0x36: {  	[tilespmem:s25], [sflag:$0x1] =	stream.indirect_vreg.gather [hbm4b:s5+s2], $0x80, v3, vm0, $0xb8;
	[tilespmem:$0x18400] =	vst v63  }
0x37: {  	s11 =	simm.s32 $0x2C00  }
0x38: {  	[tilespmem:s11], [sflag:$0x1] =	stream.indirect_vreg.gather [hbm4b:s6+s2], $0x80, v3, vm0, $0xb8;
	[tilespmem:$0x18400] =	vst v63  }
0x39: {  	v3 =	vld [tilespmem:$0x10];
	_ =	sdelay $0x4  }
0x3a: {  	v61 =	vshrl.u32 v3, $0x3  }
0x3b: {  	v4 =	vmul.u32 $0x30, v61  }
0x3c: {  	v3 =	vand.u32 $0x7, v3  }
0x3d: {  	v3 =	vor.u32 v3, v4  }
0x3e: {  	v4 =	vperm.xlane v3, v0;
	_ =	sdelay $0x1  }
0x3f: {  	v4 =	vadd.s32 v1, v4;
	_ =	sdelay $0x3  }
0x40: {  	s12 =	simm.s32 $0x3400;
	v3 =	vperm.xlane v3, v2  }
0x41: {  	[tilespmem:s12], [sflag:$0x1] =	stream.indirect_vreg.gather [hbm4b:s3+s2], $0x80, v4, vm0, $0xb8;
	[tilespmem:$0x18400] =	vst v63  }
0x42: {  	s25 =	simm.s32 $0x3C00;
	v3 =	vadd.s32 v1, v3  }
0x43: {  	[tilespmem:s25], [sflag:$0x1] =	stream.indirect_vreg.gather [hbm4b:s5+s2], $0x80, v4, vm0, $0xb8;
	[tilespmem:$0x18400] =	vst v63  }
0x44: {  	s11 =	simm.s32 $0x4400  }
0x45: {  	[tilespmem:s11], [sflag:$0x1] =	stream.indirect_vreg.gather [hbm4b:s6+s2], $0x80, v4, vm0, $0xb8;
	[tilespmem:$0x18400] =	vst v63  }
0x46: {  	s12 =	simm.s32 $0x4C00  }
0x47: {  	[tilespmem:s12], [sflag:$0x1] =	stream.indirect_vreg.gather [hbm4b:s3+s2], $0x80, v3, vm0, $0xb8;
	[tilespmem:$0x18400] =	vst v63  }
0x48: {  	s25 =	simm.s32 $0x5400  }
0x49: {  	[tilespmem:s25], [sflag:$0x1] =	stream.indirect_vreg.gather [hbm4b:s5+s2], $0x80, v3, vm0, $0xb8;
	[tilespmem:$0x18400] =	vst v63  }
0x4a: {  	s11 =	simm.s32 $0x5C00  }
0x4b: {  	[tilespmem:s11], [sflag:$0x1] =	stream.indirect_vreg.gather [hbm4b:s6+s2], $0x80, v3, vm0, $0xb8;
	[tilespmem:$0x18400] =	vst v63  }
0x4c: {  	v3 =	vld [tilespmem:$0x20];
	_ =	sdelay $0x4  }
0x4d: {  	v62 =	vshrl.u32 v3, $0x3  }
0x4e: {  	v4 =	vmul.u32 $0x30, v62  }
0x4f: {  	v3 =	vand.u32 $0x7, v3  }
0x50: {  	v3 =	vor.u32 v3, v4  }
0x51: {  	v4 =	vperm.xlane v3, v0;
	_ =	sdelay $0x1  }
0x52: {  	v4 =	vadd.s32 v1, v4;
	_ =	sdelay $0x3  }
0x53: {  	v3 =	vperm.xlane v3, v2  }
0x54: {  	[tilespmem:s24], [sflag:$0x2] =	stream.indirect_vreg.gather [hbm4b:s3+s2], $0x80, v4, vm0, $0xb8;
	[tilespmem:$0x18400] =	vst v63  }
0x55: {  	s12 =	simm.s32 $0x6C00;
	v3 =	vadd.s32 v1, v3  }
0x56: {  	[tilespmem:s12], [sflag:$0x2] =	stream.indirect_vreg.gather [hbm4b:s5+s2], $0x80, v4, vm0, $0xb8;
	[tilespmem:$0x18400] =	vst v63  }
0x57: {  	s25 =	simm.s32 $0x7400  }
0x58: {  	[tilespmem:s25], [sflag:$0x2] =	stream.indirect_vreg.gather [hbm4b:s6+s2], $0x80, v4, vm0, $0xb8;
	[tilespmem:$0x18400] =	vst v63  }
0x59: {  	s11 =	simm.s32 $0x7C00  }
0x5a: {  	[tilespmem:s11], [sflag:$0x2] =	stream.indirect_vreg.gather [hbm4b:s3+s2], $0x80, v3, vm0, $0xb8;
	[tilespmem:$0x18400] =	vst v63  }
0x5b: {  	s12 =	simm.s32 $0x8400  }
0x5c: {  	[tilespmem:s12], [sflag:$0x2] =	stream.indirect_vreg.gather [hbm4b:s5+s2], $0x80, v3, vm0, $0xb8;
	[tilespmem:$0x18400] =	vst v63  }
0x5d: {  	s25 =	simm.s32 $0x8C00  }
0x5e: {  	[tilespmem:s25], [sflag:$0x2] =	stream.indirect_vreg.gather [hbm4b:s6+s2], $0x80, v3, vm0, $0xb8;
	[tilespmem:$0x18400] =	vst v63  }
0x5f: {  	v3 =	vld [tilespmem:$0x30];
	_ =	sdelay $0x4  }
0x60: {  	v63 =	vshrl.u32 v3, $0x3  }
0x61: {  	v4 =	vmul.u32 $0x30, v63  }
0x62: {  	v3 =	vand.u32 $0x7, v3  }
0x63: {  	v3 =	vor.u32 v3, v4  }
0x64: {  	v4 =	vperm.xlane v3, v0;
	_ =	sdelay $0x1  }
0x65: {  	v4 =	vadd.s32 v1, v4;
	_ =	sdelay $0x3  }
0x66: {  	s11 =	simm.s32 $0x9400;
	v3 =	vperm.xlane v3, v2  }
0x67: {  	[tilespmem:s11], [sflag:$0x2] =	stream.indirect_vreg.gather [hbm4b:s3+s2], $0x80, v4, vm0, $0xb8;
	[tilespmem:$0x18400] =	vst v63  }
0x68: {  	s12 =	simm.s32 $0x9C00;
	v3 =	vadd.s32 v1, v3  }
0x69: {  	[tilespmem:s12], [sflag:$0x2] =	stream.indirect_vreg.gather [hbm4b:s5+s2], $0x80, v4, vm0, $0xb8;
	[tilespmem:$0x18400] =	vst v63  }
0x6a: {  	s25 =	simm.s32 $0xA400  }
0x6b: {  	[tilespmem:s25], [sflag:$0x2] =	stream.indirect_vreg.gather [hbm4b:s6+s2], $0x80, v4, vm0, $0xb8;
	[tilespmem:$0x18400] =	vst v63  }
0x6c: {  	s11 =	simm.s32 $0xAC00  }
0x6d: {  	[tilespmem:s11], [sflag:$0x2] =	stream.indirect_vreg.gather [hbm4b:s3+s2], $0x80, v3, vm0, $0xb8;
	[tilespmem:$0x18400] =	vst v63  }
0x6e: {  	s12 =	simm.s32 $0xB400  }
0x6f: {  	[tilespmem:s12], [sflag:$0x2] =	stream.indirect_vreg.gather [hbm4b:s5+s2], $0x80, v3, vm0, $0xb8;
	[tilespmem:$0x18400] =	vst v63  }
0x70: {  	s7 =	simm.s32 $0x60;
	s25 =	simm.s32 $0xBC00;
	s11 =	simm.s32 $0x0  }
0x71: {  	[tilespmem:s25], [sflag:$0x2] =	stream.indirect_vreg.gather [hbm4b:s6+s2], $0x80, v3, vm0, $0xb8;
	[tilespmem:$0x18400] =	vst v63  }
.LBB2_2:
0x72: {  	_ =	swait.ge [sflag:s16], $0x6000  }
0x73: {  	s12 =	sadd.s32 s11, s10;
	[sflag:s16] =	ssyncset.done $0x0  }
0x74: {  	s25 =	simm.s32 $0x400;
	p0 =	seq.s32 s11, $0x0;
	[sflag:s16] =	ssyncadd.s32 $0xFFFFA000  }
0x75: {  	[hbm4b:s12+s2] =	stream.linear.scatter [tilespmem:s25], [sflag:$0x5], $0x6000, $0x38;
	[tilespmem:$0x18400] =	vst v63  }
0x76: {  	s25 =	simm.s32 @!p0 $0x7  }
0x77: {  	_ =	swait.ge @!p0 [sflag:s25], $0x6000  }
0x78: {  	[sflag:s25] =	ssyncset.done @!p0 $0x0  }
0x79: {  	[sflag:s25] =	ssyncadd.s32 @!p0 $0xFFFFA000  }
0x7a: {  	v3 =	vld [tilespmem:s7+$0xFFFFFFE0];
	_ =	sdelay $0x4  }
0x7b: {  	v4 =	vshrl.u32 v3, $0x3  }
0x7c: {  	v4 =	vmul.u32 $0x30, v4  }
0x7d: {  	v3 =	vand.u32 $0x7, v3  }
0x7e: {  	v3 =	vor.u32 v3, v4  }
0x7f: {  	v4 =	vperm.xlane v3, v0;
	_ =	sdelay $0x1  }
0x80: {  	v4 =	vadd.s32 v1, v4;
	_ =	sdelay $0x3  }
0x81: {  	v3 =	vperm.xlane v3, v2  }
0x82: {  	[tilespmem:s17], [sflag:$0x3] =	stream.indirect_vreg.gather [hbm4b:s3+s2], $0x80, v4, vm0, $0xb8;
	[tilespmem:$0x18400] =	vst v63  }
0x83: {  	s25 =	simm.s32 $0xCC00;
	v3 =	vadd.s32 v1, v3  }
0x84: {  	[tilespmem:s25], [sflag:$0x3] =	stream.indirect_vreg.gather [hbm4b:s5+s2], $0x80, v4, vm0, $0xb8;
	[tilespmem:$0x18400] =	vst v63  }
0x85: {  	s25 =	simm.s32 $0xD400  }
0x86: {  	[tilespmem:s25], [sflag:$0x3] =	stream.indirect_vreg.gather [hbm4b:s6+s2], $0x80, v4, vm0, $0xb8;
	[tilespmem:$0x18400] =	vst v63  }
0x87: {  	s25 =	simm.s32 $0xDC00  }
0x88: {  	[tilespmem:s25], [sflag:$0x3] =	stream.indirect_vreg.gather [hbm4b:s3+s2], $0x80, v3, vm0, $0xb8;
	[tilespmem:$0x18400] =	vst v63  }
0x89: {  	s25 =	simm.s32 $0xE400  }
0x8a: {  	[tilespmem:s25], [sflag:$0x3] =	stream.indirect_vreg.gather [hbm4b:s5+s2], $0x80, v3, vm0, $0xb8;
	[tilespmem:$0x18400] =	vst v63  }
0x8b: {  	s25 =	simm.s32 $0xEC00  }
0x8c: {  	[tilespmem:s25], [sflag:$0x3] =	stream.indirect_vreg.gather [hbm4b:s6+s2], $0x80, v3, vm0, $0xb8;
	[tilespmem:$0x18400] =	vst v63  }
0x8d: {  	v3 =	vld [tilespmem:s7+$0xFFFFFFF0];
	_ =	sdelay $0x4  }
0x8e: {  	v61 =	vshrl.u32 v3, $0x3  }
0x8f: {  	v4 =	vmul.u32 $0x30, v61  }
0x90: {  	v3 =	vand.u32 $0x7, v3  }
0x91: {  	v3 =	vor.u32 v3, v4  }
0x92: {  	v4 =	vperm.xlane v3, v0;
	_ =	sdelay $0x1  }
0x93: {  	v4 =	vadd.s32 v1, v4;
	_ =	sdelay $0x3  }
0x94: {  	s25 =	simm.s32 $0xF400;
	v3 =	vperm.xlane v3, v2  }
0x95: {  	[tilespmem:s25], [sflag:$0x3] =	stream.indirect_vreg.gather [hbm4b:s3+s2], $0x80, v4, vm0, $0xb8;
	[tilespmem:$0x18400] =	vst v63  }
0x96: {  	v3 =	vadd.s32 v1, v3;
	s25 =	simm.s32 $0xFC00  }
0x97: {  	[tilespmem:s25], [sflag:$0x3] =	stream.indirect_vreg.gather [hbm4b:s5+s2], $0x80, v4, vm0, $0xb8;
	[tilespmem:$0x18400] =	vst v63  }
0x98: {  	s25 =	simm.s32 $0x10400  }
0x99: {  	[tilespmem:s25], [sflag:$0x3] =	stream.indirect_vreg.gather [hbm4b:s6+s2], $0x80, v4, vm0, $0xb8;
	[tilespmem:$0x18400] =	vst v63  }
0x9a: {  	s25 =	simm.s32 $0x10C00  }
0x9b: {  	[tilespmem:s25], [sflag:$0x3] =	stream.indirect_vreg.gather [hbm4b:s3+s2], $0x80, v3, vm0, $0xb8;
	[tilespmem:$0x18400] =	vst v63  }
0x9c: {  	s25 =	simm.s32 $0x11400  }
0x9d: {  	[tilespmem:s25], [sflag:$0x3] =	stream.indirect_vreg.gather [hbm4b:s5+s2], $0x80, v3, vm0, $0xb8;
	[tilespmem:$0x18400] =	vst v63  }
0x9e: {  	s25 =	simm.s32 $0x11C00  }
0x9f: {  	[tilespmem:s25], [sflag:$0x3] =	stream.indirect_vreg.gather [hbm4b:s6+s2], $0x80, v3, vm0, $0xb8;
	[tilespmem:$0x18400] =	vst v63  }
0xa0: {  	_ =	swait.ge [sflag:s26], $0x6000  }
0xa1: {  	[sflag:s26] =	ssyncset.done $0x0  }
0xa2: {  	s12 =	sadd.s32 $0xC00, s12;
	[sflag:s26] =	ssyncadd.s32 $0xFFFFA000  }
0xa3: {  	[hbm4b:s12+s2] =	stream.linear.scatter [tilespmem:s24], [sflag:$0x6], $0x6000, $0x38;
	[tilespmem:$0x18400] =	vst v63  }
0xa4: {  	s12 =	simm.s32 @!p0 $0x8  }
0xa5: {  	_ =	swait.ge @!p0 [sflag:s12], $0x6000  }
0xa6: {  	[sflag:s12] =	ssyncset.done @!p0 $0x0  }
0xa7: {  	[sflag:s12] =	ssyncadd.s32 @!p0 $0xFFFFA000  }
0xa8: {  	v3 =	vld [tilespmem:s7+$0x0];
	_ =	sdelay $0x4  }
0xa9: {  	v62 =	vshrl.u32 v3, $0x3  }
0xaa: {  	v4 =	vmul.u32 $0x30, v62  }
0xab: {  	v3 =	vand.u32 $0x7, v3  }
0xac: {  	v3 =	vor.u32 v3, v4  }
0xad: {  	v4 =	vperm.xlane v3, v0;
	_ =	sdelay $0x1  }
0xae: {  	v4 =	vadd.s32 v1, v4;
	_ =	sdelay $0x3  }
0xaf: {  	v3 =	vperm.xlane v3, v2  }
0xb0: {  	[tilespmem:s28], [sflag:$0x4] =	stream.indirect_vreg.gather [hbm4b:s3+s2], $0x80, v4, vm0, $0xb8;
	[tilespmem:$0x18400] =	vst v63  }
0xb1: {  	v3 =	vadd.s32 v1, v3  }
0xb2: {  	[tilespmem:s29], [sflag:$0x4] =	stream.indirect_vreg.gather [hbm4b:s5+s2], $0x80, v4, vm0, $0xb8;
	[tilespmem:$0x18400] =	vst v63  }
0xb3: {  	_ = 	snop  }
0xb4: {  	[tilespmem:s30], [sflag:$0x4] =	stream.indirect_vreg.gather [hbm4b:s6+s2], $0x80, v4, vm0, $0xb8;
	[tilespmem:$0x18400] =	vst v63  }
0xb5: {  	_ = 	snop  }
0xb6: {  	[tilespmem:s31], [sflag:$0x4] =	stream.indirect_vreg.gather [hbm4b:s3+s2], $0x80, v3, vm0, $0xb8;
	[tilespmem:$0x18400] =	vst v63  }
0xb7: {  	_ = 	snop  }
0xb8: {  	[tilespmem:s0], [sflag:$0x4] =	stream.indirect_vreg.gather [hbm4b:s5+s2], $0x80, v3, vm0, $0xb8;
	[tilespmem:$0x18400] =	vst v63  }
0xb9: {  	_ = 	snop  }
0xba: {  	[tilespmem:s1], [sflag:$0x4] =	stream.indirect_vreg.gather [hbm4b:s6+s2], $0x80, v3, vm0, $0xb8;
	[tilespmem:$0x18400] =	vst v63  }
0xbb: {  	v3 =	vld [tilespmem:s7+$0x10];
	_ =	sdelay $0x4  }
0xbc: {  	v63 =	vshrl.u32 v3, $0x3  }
0xbd: {  	v4 =	vmul.u32 $0x30, v63  }
0xbe: {  	v3 =	vand.u32 $0x7, v3  }
0xbf: {  	v3 =	vor.u32 v3, v4  }
0xc0: {  	v4 =	vperm.xlane v3, v0;
	_ =	sdelay $0x1  }
0xc1: {  	v4 =	vadd.s32 v1, v4;
	_ =	sdelay $0x3  }
0xc2: {  	v3 =	vperm.xlane v3, v2  }
0xc3: {  	[tilespmem:s13], [sflag:$0x4] =	stream.indirect_vreg.gather [hbm4b:s3+s2], $0x80, v4, vm0, $0xb8;
	[tilespmem:$0x18400] =	vst v63  }
0xc4: {  	v3 =	vadd.s32 v1, v3  }
0xc5: {  	[tilespmem:s14], [sflag:$0x4] =	stream.indirect_vreg.gather [hbm4b:s5+s2], $0x80, v4, vm0, $0xb8;
	[tilespmem:$0x18400] =	vst v63  }
0xc6: {  	_ = 	snop  }
0xc7: {  	[tilespmem:s15], [sflag:$0x4] =	stream.indirect_vreg.gather [hbm4b:s6+s2], $0x80, v4, vm0, $0xb8;
	[tilespmem:$0x18400] =	vst v63  }
0xc8: {  	_ = 	snop  }
0xc9: {  	[tilespmem:s18], [sflag:$0x4] =	stream.indirect_vreg.gather [hbm4b:s3+s2], $0x80, v3, vm0, $0xb8;
	[tilespmem:$0x18400] =	vst v63  }
0xca: {  	_ = 	snop  }
0xcb: {  	[tilespmem:s19], [sflag:$0x4] =	stream.indirect_vreg.gather [hbm4b:s5+s2], $0x80, v3, vm0, $0xb8;
	[tilespmem:$0x18400] =	vst v63  }
0xcc: {  	_ = 	snop  }
0xcd: {  	[tilespmem:s20], [sflag:$0x4] =	stream.indirect_vreg.gather [hbm4b:s6+s2], $0x80, v3, vm0, $0xb8;
	[tilespmem:$0x18400] =	vst v63  }
0xce: {  	_ =	swait.ge [sflag:s21], $0x6000  }
0xcf: {  	[sflag:s21] =	ssyncset.done $0x0  }
0xd0: {  	s25 =	sadd.s32 s11, s8;
	[sflag:s21] =	ssyncadd.s32 $0xFFFFA000  }
0xd1: {  	[hbm4b:s25+s2] =	stream.linear.scatter [tilespmem:s17], [sflag:$0x7], $0x6000, $0x38;
	[tilespmem:$0x18400] =	vst v63  }
0xd2: {  	_ =	swait.ge [sflag:s22], $0x6000  }
0xd3: {  	[sflag:s22] =	ssyncset.done $0x0  }
0xd4: {  	p0 =	seq.s32 s11, $0x15000;
	[sflag:s22] =	ssyncadd.s32 $0xFFFFA000  }
0xd5: {  	v3 =	vld @!p0 [tilespmem:s7+$0x20];
	_ =	sdelay $0x4  }
0xd6: {  	v4 =	vshrl.u32 @!p0 v3, $0x3  }
0xd7: {  	v4 =	vmul.u32 @!p0 $0x30, v4  }
0xd8: {  	v5 =	vlaneseq.u32 @!p0;
	v3 =	vand.u32 @!p0 $0x7, v3  }
0xd9: {  	v6 =	vshrl.u32 @!p0 v5, $0x3;
	v3 =	vor.u32 @!p0 v3, v4;
	v4 =	vand.u32 @!p0 $0x7, v5  }
0xda: {  	v6 =	vmul.u32 @!p0 $0x8, v6;
	v7 =	vperm.xlane @!p0 v3, v4;
	_ =	sdelay $0x1  }
0xdb: {  	v7 =	vadd.s32 @!p0 v6, v7;
	_ =	sdelay $0x2  }
0xdc: {  	v5 =	vor.u32 @!p0 $0x8, v5  }
0xdd: {  	vm1 =	vmmov @!p0 $0xffff;
	s12 =	simm.s32 @!p0 $0x0;
	s25 =	simm.s32 @!p0 $0x400;
	v3 =	vperm.xlane @!p0 v3, v5  }
0xde: {  	[tilespmem:s25], [sflag:$0x1] =	stream.indirect_vreg.gather @!p0 [hbm4b:s3+s12], $0x80, v7, vm1, $0xb8;
	[tilespmem:$0x18400] =	vst v63  }
0xdf: {  	v3 =	vadd.s32 @!p0 v6, v3;
	s25 =	simm.s32 @!p0 $0xC00  }
0xe0: {  	[tilespmem:s25], [sflag:$0x1] =	stream.indirect_vreg.gather @!p0 [hbm4b:s5+s12], $0x80, v7, vm1, $0xb8;
	[tilespmem:$0x18400] =	vst v63  }
0xe1: {  	s25 =	simm.s32 @!p0 $0x1400  }
0xe2: {  	[tilespmem:s25], [sflag:$0x1] =	stream.indirect_vreg.gather @!p0 [hbm4b:s6+s12], $0x80, v7, vm1, $0xb8;
	[tilespmem:$0x18400] =	vst v63  }
0xe3: {  	s25 =	simm.s32 @!p0 $0x1C00  }
0xe4: {  	[tilespmem:s25], [sflag:$0x1] =	stream.indirect_vreg.gather @!p0 [hbm4b:s3+s12], $0x80, v3, vm1, $0xb8;
	[tilespmem:$0x18400] =	vst v63  }
0xe5: {  	s25 =	simm.s32 @!p0 $0x2400  }
0xe6: {  	[tilespmem:s25], [sflag:$0x1] =	stream.indirect_vreg.gather @!p0 [hbm4b:s5+s12], $0x80, v3, vm1, $0xb8;
	[tilespmem:$0x18400] =	vst v63  }
0xe7: {  	s25 =	simm.s32 @!p0 $0x2C00  }
0xe8: {  	[tilespmem:s25], [sflag:$0x1] =	stream.indirect_vreg.gather @!p0 [hbm4b:s6+s12], $0x80, v3, vm1, $0xb8;
	[tilespmem:$0x18400] =	vst v63  }
0xe9: {  	v3 =	vld @!p0 [tilespmem:s7+$0x30];
	_ =	sdelay $0x4  }
0xea: {  	v7 =	vshrl.u32 @!p0 v3, $0x3  }
0xeb: {  	v7 =	vmul.u32 @!p0 $0x30, v7  }
0xec: {  	v3 =	vand.u32 @!p0 $0x7, v3  }
0xed: {  	v3 =	vor.u32 @!p0 v3, v7  }
0xee: {  	v4 =	vperm.xlane @!p0 v3, v4;
	_ =	sdelay $0x1  }
0xef: {  	v4 =	vadd.s32 @!p0 v6, v4;
	_ =	sdelay $0x3  }
0xf0: {  	s25 =	simm.s32 @!p0 $0x3400;
	v3 =	vperm.xlane @!p0 v3, v5  }
0xf1: {  	[tilespmem:s25], [sflag:$0x1] =	stream.indirect_vreg.gather @!p0 [hbm4b:s3+s12], $0x80, v4, vm1, $0xb8;
	[tilespmem:$0x18400] =	vst v63  }
0xf2: {  	v3 =	vadd.s32 @!p0 v6, v3;
	s25 =	simm.s32 @!p0 $0x3C00  }
0xf3: {  	[tilespmem:s25], [sflag:$0x1] =	stream.indirect_vreg.gather @!p0 [hbm4b:s5+s12], $0x80, v4, vm1, $0xb8;
	[tilespmem:$0x18400] =	vst v63  }
0xf4: {  	s25 =	simm.s32 @!p0 $0x4400  }
0xf5: {  	[tilespmem:s25], [sflag:$0x1] =	stream.indirect_vreg.gather @!p0 [hbm4b:s6+s12], $0x80, v4, vm1, $0xb8;
	[tilespmem:$0x18400] =	vst v63  }
0xf6: {  	s25 =	simm.s32 @!p0 $0x4C00  }
0xf7: {  	[tilespmem:s25], [sflag:$0x1] =	stream.indirect_vreg.gather @!p0 [hbm4b:s3+s12], $0x80, v3, vm1, $0xb8;
	[tilespmem:$0x18400] =	vst v63  }
0xf8: {  	s25 =	simm.s32 @!p0 $0x5400  }
0xf9: {  	[tilespmem:s25], [sflag:$0x1] =	stream.indirect_vreg.gather @!p0 [hbm4b:s5+s12], $0x80, v3, vm1, $0xb8;
	[tilespmem:$0x18400] =	vst v63  }
0xfa: {  	s25 =	simm.s32 @!p0 $0x5C00  }
0xfb: {  	[tilespmem:s25], [sflag:$0x1] =	stream.indirect_vreg.gather @!p0 [hbm4b:s6+s12], $0x80, v3, vm1, $0xb8;
	[tilespmem:$0x18400] =	vst v63  }
0xfc: {  	_ =	swait.ge [sflag:s23], $0x6000  }
0xfd: {  	[sflag:s23] =	ssyncset.done $0x0  }
.Ltmp2:
0xfe: {  	s25 =	sadd.s32 s11, s9;
	[sflag:s23] =	ssyncadd.s32 $0xFFFFA000;
	(pc) =	sbr.rel @p0 .LBB2_4-.Ltmp2, $4  }
0xff: {  	[hbm4b:s25+s2] =	stream.linear.scatter [tilespmem:s28], [sflag:$0x8], $0x6000, $0x38;
	[tilespmem:$0x18400] =	vst v63  }
0x100: {  	_ =	swait.ge [sflag:s4], $0x6000  }
0x101: {  	[sflag:s4] =	ssyncset.done $0x0  }
0x102: {  	[sflag:s4] =	ssyncadd.s32 $0xFFFFA000  }
0x103: {  	v3 =	vld [tilespmem:s7+$0x40];
	_ =	sdelay $0x4  }
0x104: {  	v4 =	vshrl.u32 v3, $0x3  }
0x105: {  	v4 =	vmul.u32 $0x30, v4  }
0x106: {  	v3 =	vand.u32 $0x7, v3  }
0x107: {  	v3 =	vor.u32 v3, v4  }
0x108: {  	v4 =	vperm.xlane v3, v0;
	_ =	sdelay $0x1  }
0x109: {  	v4 =	vadd.s32 v1, v4;
	_ =	sdelay $0x3  }
0x10a: {  	v3 =	vperm.xlane v3, v2  }
0x10b: {  	[tilespmem:s24], [sflag:$0x2] =	stream.indirect_vreg.gather [hbm4b:s3+s2], $0x80, v4, vm0, $0xb8;
	[tilespmem:$0x18400] =	vst v63  }
0x10c: {  	s12 =	simm.s32 $0x6C00;
	v3 =	vadd.s32 v1, v3  }
0x10d: {  	[tilespmem:s12], [sflag:$0x2] =	stream.indirect_vreg.gather [hbm4b:s5+s2], $0x80, v4, vm0, $0xb8;
	[tilespmem:$0x18400] =	vst v63  }
0x10e: {  	s25 =	simm.s32 $0x7400  }
0x10f: {  	[tilespmem:s25], [sflag:$0x2] =	stream.indirect_vreg.gather [hbm4b:s6+s2], $0x80, v4, vm0, $0xb8;
	[tilespmem:$0x18400] =	vst v63  }
0x110: {  	s25 =	simm.s32 $0x7C00  }
0x111: {  	[tilespmem:s25], [sflag:$0x2] =	stream.indirect_vreg.gather [hbm4b:s3+s2], $0x80, v3, vm0, $0xb8;
	[tilespmem:$0x18400] =	vst v63  }
0x112: {  	s25 =	simm.s32 $0x8400  }
0x113: {  	[tilespmem:s25], [sflag:$0x2] =	stream.indirect_vreg.gather [hbm4b:s5+s2], $0x80, v3, vm0, $0xb8;
	[tilespmem:$0x18400] =	vst v63  }
0x114: {  	s25 =	simm.s32 $0x8C00  }
0x115: {  	[tilespmem:s25], [sflag:$0x2] =	stream.indirect_vreg.gather [hbm4b:s6+s2], $0x80, v3, vm0, $0xb8;
	[tilespmem:$0x18400] =	vst v63  }
0x116: {  	v3 =	vld [tilespmem:s7+$0x50];
	_ =	sdelay $0x4  }
0x117: {  	v63 =	vshrl.u32 v3, $0x3  }
0x118: {  	v4 =	vmul.u32 $0x30, v63  }
0x119: {  	v3 =	vand.u32 $0x7, v3  }
0x11a: {  	v3 =	vor.u32 v3, v4  }
0x11b: {  	v4 =	vperm.xlane v3, v0;
	_ =	sdelay $0x1  }
0x11c: {  	v4 =	vadd.s32 v1, v4;
	_ =	sdelay $0x3  }
0x11d: {  	s25 =	simm.s32 $0x9400;
	v3 =	vperm.xlane v3, v2  }
0x11e: {  	[tilespmem:s25], [sflag:$0x2] =	stream.indirect_vreg.gather [hbm4b:s3+s2], $0x80, v4, vm0, $0xb8;
	[tilespmem:$0x18400] =	vst v63  }
0x11f: {  	v3 =	vadd.s32 v1, v3;
	s25 =	simm.s32 $0x9C00  }
0x120: {  	[tilespmem:s25], [sflag:$0x2] =	stream.indirect_vreg.gather [hbm4b:s5+s2], $0x80, v4, vm0, $0xb8;
	[tilespmem:$0x18400] =	vst v63  }
0x121: {  	s25 =	simm.s32 $0xA400  }
0x122: {  	[tilespmem:s25], [sflag:$0x2] =	stream.indirect_vreg.gather [hbm4b:s6+s2], $0x80, v4, vm0, $0xb8;
	[tilespmem:$0x18400] =	vst v63  }
0x123: {  	s25 =	simm.s32 $0xAC00  }
0x124: {  	[tilespmem:s25], [sflag:$0x2] =	stream.indirect_vreg.gather [hbm4b:s3+s2], $0x80, v3, vm0, $0xb8;
	[tilespmem:$0x18400] =	vst v63  }
.Ltmp3:
0x125: {  	_ = 	snop;
	(pc) =	sbr.rel .LBB2_2-.Ltmp3, $4  }
0x126: {  	s25 =	simm.s32 $0xB400  }
0x127: {  	[tilespmem:s25], [sflag:$0x2] =	stream.indirect_vreg.gather [hbm4b:s5+s2], $0x80, v3, vm0, $0xb8;
	[tilespmem:$0x18400] =	vst v63  }
0x128: {  	s11 =	sadd.s32 $0x3000, s11;
	s7 =	sadd.s32 $0x80, s7;
	s25 =	simm.s32 $0xBC00  }
0x129: {  	[tilespmem:s25], [sflag:$0x2] =	stream.indirect_vreg.gather [hbm4b:s6+s2], $0x80, v3, vm0, $0xb8;
	[tilespmem:$0x18400] =	vst v63  }
.LBB2_5:
0x12a: {  	_ =	sfence.sel $0x180000  }
0x12b: {  	[bflag:$0x0] =	sbarrier.arrive $0xFFFF  }
0x12c: {  	_ =	strace $0x90000047  }
0x12d: {  	s0 =	stileid.u32;
	[bflag:$0x2] =	sbarrier.arrive $0xFFFF  }
0x12e: {  	p0 =	sne.s32 s0, $0x0;
	s0 =	rddreg [dreg:$0x2]  }
0x12f: {  	s0 =	sadd.s32 @!p0 $0x100000, s0  }
0x130: {  	[sflag:s0] =	ssyncadd.tile.s32 @!p0 $0x1;
	_ =	shalt  }
.Lfunc_end2:
_tile_overlayer_lowered:
.L_overlay_start_2:
0x131: {  	(tag) =	ssettag $0x2  }
0x132: {  	s0 =	rddreg [dreg:$0x0];
	s2 =	stileid.u32  }
0x133: {  	s1 =	rddreg [dreg:$0x1];
	p0 =	sne.s32 s2, $0x0  }
0x134: {  	s3 =	rddreg [dreg:$0x2];
	[bflag:$0x3] =	sbarrier.arrive $0xFFFF;
	s2 =	simm.s32 @!p0 $0x1C09  }
0x135: {  	[timem:s3], [sflag:s2] =	dma.local @!p0 [hbm:s0], s1  }
0x136: {  	s0 =	simm.s32 @!p0 $0x9  }
0x137: {  	_ =	swait.ge @!p0 [sflag:s0], s1  }
0x138: {  	s1 =	ssub.s32 @!p0 $0x0, s1;
	[sflag:s0] =	ssyncset.done @!p0 $0x0  }
0x139: {  	[sflag:s0] =	ssyncadd.s32 @!p0 s1  }
0x13a: {  	[bflag:$0x3] =	sbarrier.arrive $0xFFFF  }
0x13b: {  	_ =	shalt  }

</sc_bundles>
